<compile_context>
chip_gen: v7x
topology: tpu7x:2x2x1
jax: 0.10.2.dev20260603
libtpu: 0.0.44.dev20260713+nightly
codegen_flags: <defaults>
</compile_context>

<pallas_src>
import functools

import jax
import jax.numpy as jnp
from jax import lax
from jax.experimental import pallas as pl
from jax.experimental.pallas import tpu as pltpu
from jax.experimental.pallas import tpu_sc as plsc

VOCAB = 1000000
EMB = 128
WINDOW = 5
HIDDEN = 256
N_TAGS = 50
BATCH = 16384

N_IDX = BATCH * WINDOW
NW = 32
B_PER_W = N_IDX // NW
CHUNK = 160
N_CHUNKS = B_PER_W // CHUNK
NBUF = 4
BM = 4096


def _sc_gather_body(table_hbm, idx_hbm, out_hbm, idx_v, *bufs):
    rows = bufs[:NBUF]
    sems = bufs[NBUF:]
    c = lax.axis_index("c")
    s = lax.axis_index("s")
    wid = s * 2 + c
    base = wid * B_PER_W
    pltpu.sync_copy(idx_hbm.at[pl.ds(base, B_PER_W)], idx_v)
    descs = [None] * NBUF
    for k in range(NBUF - 1):
        descs[k] = pltpu.async_copy(
            table_hbm.at[idx_v.at[pl.ds(k * CHUNK, CHUNK)]], rows[k], sems[k]
        )
    for k in range(N_CHUNKS):
        b = k % NBUF
        kn = k + NBUF - 1
        if kn < N_CHUNKS:
            bn = kn % NBUF
            descs[bn] = pltpu.async_copy(
                table_hbm.at[idx_v.at[pl.ds(kn * CHUNK, CHUNK)]],
                rows[bn],
                sems[bn],
            )
        descs[b].wait()
        pltpu.sync_copy(rows[b], out_hbm.at[pl.ds(base + k * CHUNK, CHUNK)])


@jax.jit
def _sc_gather(table, idx):
    mesh = plsc.VectorSubcoreMesh(core_axis_name="c", subcore_axis_name="s")
    run = pl.kernel(
        _sc_gather_body,
        mesh=mesh,
        out_type=jax.ShapeDtypeStruct((N_IDX, EMB), jnp.float32),
        scratch_types=(
            [pltpu.VMEM((B_PER_W,), jnp.int32)]
            + [pltpu.VMEM((CHUNK, EMB), jnp.float32) for _ in range(NBUF)]
            + [pltpu.SemaphoreType.DMA for _ in range(NBUF)]
        ),
    )
    return run(table, idx)


def _mlp_body(rows_ref, w1_ref, b1_ref, w2_ref, b2_ref, out_ref):
    acc = b1_ref[...] + jnp.dot(
        rows_ref[0], w1_ref[0], preferred_element_type=jnp.float32
    )
    for w in range(1, WINDOW):
        acc = acc + jnp.dot(
            rows_ref[w], w1_ref[w], preferred_element_type=jnp.float32
        )
    h = jnp.tanh(acc)
    out = jnp.dot(h, w2_ref[...], preferred_element_type=jnp.float32) + b2_ref[...]
    out_ref[...] = out[:, :N_TAGS]


@jax.jit
def _mlp(rows3, W13, b1, W2p, b2p):
    return pl.pallas_call(
        _mlp_body,
        grid=(BATCH // BM,),
        in_specs=[
            pl.BlockSpec((WINDOW, BM, EMB), lambda i: (0, i, 0)),
            pl.BlockSpec((WINDOW, EMB, HIDDEN), lambda i: (0, 0, 0)),
            pl.BlockSpec((1, HIDDEN), lambda i: (0, 0)),
            pl.BlockSpec((HIDDEN, 128), lambda i: (0, 0)),
            pl.BlockSpec((1, 128), lambda i: (0, 0)),
        ],
        out_specs=pl.BlockSpec((BM, N_TAGS), lambda i: (i, 0)),
        out_shape=jax.ShapeDtypeStruct((BATCH, N_TAGS), jnp.float32),
    )(rows3, W13, b1, W2p, b2p)


def kernel(x, table, W1, b1, W2, b2):
    idx = x.astype(jnp.int32).T.reshape(-1)
    rows = _sc_gather(table, idx)
    rows3 = rows.reshape(WINDOW, BATCH, EMB)
    W13 = W1.reshape(WINDOW, EMB, HIDDEN)
    W2p = jnp.pad(W2, ((0, 0), (0, 128 - N_TAGS)))
    b2p = jnp.pad(b2, (0, 128 - N_TAGS))
    return _mlp(rows3, W13, b1.reshape(1, -1), W2p, b2p.reshape(1, -1))

# --- scband reference (transcript-rebuilt; emitter-appended) ---
"""Pipeline reference for scband-sequence-tagger-with-embedding-network-74019466379591 (READ-ONLY COPY).

The authoritative reference and input builder live on the scoring server;
editing this copy changes nothing except your own understanding.
"""

import jax, jax.numpy as jnp
import numpy as np

VOCAB = 1000000
EMBEDDING_SIZE = 128
WINDOW = 5
HIDDEN = 256
N_TAGS = 50
BATCH = 16384

def setup_inputs(seed: int = 0) -> dict:
    key = jax.random.key(seed)
    k0, k1, k2, k3, k4, k5 = jax.random.split(key, 6)
    x = jax.random.randint(k0, (BATCH, WINDOW), 0, VOCAB, dtype=jnp.int64 if jax.config.jax_enable_x64 else jnp.int32)
    table = jax.random.normal(k1, (VOCAB, EMBEDDING_SIZE), dtype=jnp.float32) * 0.02
    in_dim = WINDOW * EMBEDDING_SIZE
    W1 = jax.random.normal(k2, (in_dim, HIDDEN), dtype=jnp.float32) * (1.0 / np.sqrt(in_dim))
    b1 = jnp.zeros((HIDDEN,), dtype=jnp.float32)
    W2 = jax.random.normal(k3, (HIDDEN, N_TAGS), dtype=jnp.float32) * (1.0 / np.sqrt(HIDDEN))
    b2 = jnp.zeros((N_TAGS,), dtype=jnp.float32)
    return {"x": x, "table": table, "W1": W1, "b1": b1, "W2": W2, "b2": b2}

def reference(x, table, W1, b1, W2, b2):
    # Embedding lookup: gather rows from table (SparseCore gather)
    emb = jnp.take(table, x, axis=0)  # [B, WINDOW, EMBEDDING_SIZE]
    flat = emb.reshape(-1, WINDOW * EMBEDDING_SIZE)  # view(-1, WINDOW*EMBEDDING_SIZE)
    # SequenceTaggerNetwork: MLP per network_structure [640, 256, 50]
    h = jnp.tanh(flat @ W1 + b1)
    out = h @ W2 + b2
    return out

if __name__ == "__main__":
    import jax
    _d = setup_inputs()
    print(jax.jit(kernel)(*tuple(_d.values())))

</pallas_src>

<mosaic_0001>
#map = affine_map<(d0, d1) -> (0, 0)>
#map1 = affine_map<(d0, d1) -> (0)>
module attributes {stable_mosaic.version = 14 : i64} {
  func.func @_sc_gather_body(%arg0: i32, %arg1: i32, %arg2: memref<1000000x128xf32, #tpu.memory_space<hbm>>, %arg3: memref<81920xi32, #tpu.memory_space<hbm>>, %arg4: memref<81920x128xf32, #tpu.memory_space<hbm>>, %arg5: memref<2560xi32, #tpu.memory_space<vmem>>, %arg6: memref<160x128xf32, #tpu.memory_space<vmem>>, %arg7: memref<160x128xf32, #tpu.memory_space<vmem>>, %arg8: memref<160x128xf32, #tpu.memory_space<vmem>>, %arg9: memref<160x128xf32, #tpu.memory_space<vmem>>, %arg10: memref<!tpu.dma_semaphore, #tpu.memory_space<semaphore_mem>>, %arg11: memref<!tpu.dma_semaphore, #tpu.memory_space<semaphore_mem>>, %arg12: memref<!tpu.dma_semaphore, #tpu.memory_space<semaphore_mem>>, %arg13: memref<!tpu.dma_semaphore, #tpu.memory_space<semaphore_mem>>) attributes {dimension_semantics = [#tpu.dimension_semantics<core_parallel>, #tpu.dimension_semantics<subcore_parallel>], iteration_bounds = array<i64: 2, 16>, scalar_prefetch = 0 : i64, scratch_operands = 9 : i64, tpu.core_type = #tpu.core_type<sc_vector_subcore>, window_params = [{transform_indices = #map}, {transform_indices = #map1}, {transform_indices = #map}]} {
    %mul3A = arith.constant 2 : i32
    %mul3A_0 = arith.muli %arg1, %mul3A : i32
    %add3A = arith.addi %mul3A_0, %arg0 : i32
    %mul3A_1 = arith.constant 2560 : i32
    %mul3A_2 = arith.muli %add3A, %mul3A_1 : i32
    "tpu.region"() ({
      %run_scoped3A = tpu.sem_alloc : memref<!tpu.dma_semaphore, #tpu.memory_space<semaphore_mem>>
      %dma_start3A_193 = tpu.memref_slice %arg3[%mul3A_2] : memref<81920xi32, #tpu.memory_space<hbm>> -> memref<2560xi32, #tpu.memory_space<hbm>>
      %dma_start3A_194 = tpu.memref_slice %arg3[%mul3A_2] : memref<81920xi32, #tpu.memory_space<hbm>> -> memref<2560xi32, #tpu.memory_space<hbm>>
      tpu.enqueue_dma source(%dma_start3A_194 : memref<2560xi32, #tpu.memory_space<hbm>>) target(%arg5 : memref<2560xi32, #tpu.memory_space<vmem>>) target_semaphore(%run_scoped3A : memref<!tpu.dma_semaphore, #tpu.memory_space<semaphore_mem>>)
      %dma_wait3A_195 = tpu.memref_slice %arg3[%mul3A_2] : memref<81920xi32, #tpu.memory_space<hbm>> -> memref<2560xi32, #tpu.memory_space<hbm>>
      %dma_wait3A_196 = tpu.memref_slice %arg3[%mul3A_2] : memref<81920xi32, #tpu.memory_space<hbm>> -> memref<2560xi32, #tpu.memory_space<hbm>>
      tpu.wait_dma2 semaphore(%run_scoped3A : memref<!tpu.dma_semaphore, #tpu.memory_space<semaphore_mem>>) src(%dma_wait3A_196 : memref<2560xi32, #tpu.memory_space<hbm>>) dst(%arg5 : memref<2560xi32, #tpu.memory_space<vmem>>)
      tpu.yield
    }) : () -> ()
    %dma_start3A = arith.constant 0 : i32
    %dma_start3A_3 = tpu.memref_slice %arg5[%dma_start3A] : memref<2560xi32, #tpu.memory_space<vmem>> -> memref<160xi32, #tpu.memory_space<vmem>>
    %dma_start3A_4 = arith.constant 0 : i32
    %dma_start3A_5 = arith.constant 0 : i32
    %dma_start3A_6 = tpu.memref_slice %arg2[%dma_start3A_4, %dma_start3A_5] : memref<1000000x128xf32, #tpu.memory_space<hbm>> -> memref<1000000x128xf32, #tpu.memory_space<hbm>>
    tpu.enqueue_indirect_dma source(%dma_start3A_6 : memref<1000000x128xf32, #tpu.memory_space<hbm>>) target(%arg6 : memref<160x128xf32, #tpu.memory_space<vmem>>) offsets(%dma_start3A_3 : memref<160xi32, #tpu.memory_space<vmem>>) semaphore(%arg10 : memref<!tpu.dma_semaphore, #tpu.memory_space<semaphore_mem>>)
    %dma_start3A_7 = arith.constant 160 : i32
    %dma_start3A_8 = tpu.memref_slice %arg5[%dma_start3A_7] : memref<2560xi32, #tpu.memory_space<vmem>> -> memref<160xi32, #tpu.memory_space<vmem>>
    %dma_start3A_9 = arith.constant 0 : i32
    %dma_start3A_10 = arith.constant 0 : i32
    %dma_start3A_11 = tpu.memref_slice %arg2[%dma_start3A_9, %dma_start3A_10] : memref<1000000x128xf32, #tpu.memory_space<hbm>> -> memref<1000000x128xf32, #tpu.memory_space<hbm>>
    tpu.enqueue_indirect_dma source(%dma_start3A_11 : memref<1000000x128xf32, #tpu.memory_space<hbm>>) target(%arg7 : memref<160x128xf32, #tpu.memory_space<vmem>>) offsets(%dma_start3A_8 : memref<160xi32, #tpu.memory_space<vmem>>) semaphore(%arg11 : memref<!tpu.dma_semaphore, #tpu.memory_space<semaphore_mem>>)
    %dma_start3A_12 = arith.constant 320 : i32
    %dma_start3A_13 = tpu.memref_slice %arg5[%dma_start3A_12] : memref<2560xi32, #tpu.memory_space<vmem>> -> memref<160xi32, #tpu.memory_space<vmem>>
    %dma_start3A_14 = arith.constant 0 : i32
    %dma_start3A_15 = arith.constant 0 : i32
    %dma_start3A_16 = tpu.memref_slice %arg2[%dma_start3A_14, %dma_start3A_15] : memref<1000000x128xf32, #tpu.memory_space<hbm>> -> memref<1000000x128xf32, #tpu.memory_space<hbm>>
    tpu.enqueue_indirect_dma source(%dma_start3A_16 : memref<1000000x128xf32, #tpu.memory_space<hbm>>) target(%arg8 : memref<160x128xf32, #tpu.memory_space<vmem>>) offsets(%dma_start3A_13 : memref<160xi32, #tpu.memory_space<vmem>>) semaphore(%arg12 : memref<!tpu.dma_semaphore, #tpu.memory_space<semaphore_mem>>)
    %dma_start3A_17 = arith.constant 480 : i32
    %dma_start3A_18 = tpu.memref_slice %arg5[%dma_start3A_17] : memref<2560xi32, #tpu.memory_space<vmem>> -> memref<160xi32, #tpu.memory_space<vmem>>
    %dma_start3A_19 = arith.constant 0 : i32
    %dma_start3A_20 = arith.constant 0 : i32
    %dma_start3A_21 = tpu.memref_slice %arg2[%dma_start3A_19, %dma_start3A_20] : memref<1000000x128xf32, #tpu.memory_space<hbm>> -> memref<1000000x128xf32, #tpu.memory_space<hbm>>
    tpu.enqueue_indirect_dma source(%dma_start3A_21 : memref<1000000x128xf32, #tpu.memory_space<hbm>>) target(%arg9 : memref<160x128xf32, #tpu.memory_space<vmem>>) offsets(%dma_start3A_18 : memref<160xi32, #tpu.memory_space<vmem>>) semaphore(%arg13 : memref<!tpu.dma_semaphore, #tpu.memory_space<semaphore_mem>>)
    %dma_wait3A = arith.constant 0 : i32
    %dma_wait3A_22 = tpu.memref_slice %arg5[%dma_wait3A] : memref<2560xi32, #tpu.memory_space<vmem>> -> memref<160xi32, #tpu.memory_space<vmem>>
    %dma_wait3A_23 = arith.constant 0 : i32
    %dma_wait3A_24 = arith.constant 0 : i32
    %dma_wait3A_25 = tpu.memref_slice %arg2[%dma_wait3A_23, %dma_wait3A_24] : memref<1000000x128xf32, #tpu.memory_space<hbm>> -> memref<1000000x128xf32, #tpu.memory_space<hbm>>
    tpu.wait_indirect_dma semaphore(%arg10 : memref<!tpu.dma_semaphore, #tpu.memory_space<semaphore_mem>>) src(%dma_wait3A_25 : memref<1000000x128xf32, #tpu.memory_space<hbm>>) dst(%arg6 : memref<160x128xf32, #tpu.memory_space<vmem>>)
    %add3A_26 = arith.constant 0 : i32
    %add3A_27 = arith.addi %mul3A_2, %add3A_26 : i32
    "tpu.region"() ({
      %run_scoped3A = tpu.sem_alloc : memref<!tpu.dma_semaphore, #tpu.memory_space<semaphore_mem>>
      %dma_start3A_193 = arith.constant 0 : i32
      %dma_start3A_194 = tpu.memref_slice %arg4[%add3A_27, %dma_start3A_193] : memref<81920x128xf32, #tpu.memory_space<hbm>> -> memref<160x128xf32, #tpu.memory_space<hbm>>
      %dma_start3A_195 = arith.constant 0 : i32
      %dma_start3A_196 = tpu.memref_slice %arg4[%add3A_27, %dma_start3A_195] : memref<81920x128xf32, #tpu.memory_space<hbm>> -> memref<160x128xf32, #tpu.memory_space<hbm>>
      tpu.enqueue_dma source(%arg6 : memref<160x128xf32, #tpu.memory_space<vmem>>) target(%dma_start3A_196 : memref<160x128xf32, #tpu.memory_space<hbm>>) target_semaphore(%run_scoped3A : memref<!tpu.dma_semaphore, #tpu.memory_space<semaphore_mem>>)
      %dma_wait3A_197 = arith.constant 0 : i32
      %dma_wait3A_198 = tpu.memref_slice %arg4[%add3A_27, %dma_wait3A_197] : memref<81920x128xf32, #tpu.memory_space<hbm>> -> memref<160x128xf32, #tpu.memory_space<hbm>>
      %dma_wait3A_199 = arith.constant 0 : i32
      %dma_wait3A_200 = tpu.memref_slice %arg4[%add3A_27, %dma_wait3A_199] : memref<81920x128xf32, #tpu.memory_space<hbm>> -> memref<160x128xf32, #tpu.memory_space<hbm>>
      tpu.wait_dma2 semaphore(%run_scoped3A : memref<!tpu.dma_semaphore, #tpu.memory_space<semaphore_mem>>) src(%arg6 : memref<160x128xf32, #tpu.memory_space<vmem>>) dst(%dma_wait3A_200 : memref<160x128xf32, #tpu.memory_space<hbm>>)
      tpu.yield
    }) : () -> ()
    %dma_start3A_28 = arith.constant 640 : i32
    %dma_start3A_29 = tpu.memref_slice %arg5[%dma_start3A_28] : memref<2560xi32, #tpu.memory_space<vmem>> -> memref<160xi32, #tpu.memory_space<vmem>>
    %dma_start3A_30 = arith.constant 0 : i32
    %dma_start3A_31 = arith.constant 0 : i32
    %dma_start3A_32 = tpu.memref_slice %arg2[%dma_start3A_30, %dma_start3A_31] : memref<1000000x128xf32, #tpu.memory_space<hbm>> -> memref<1000000x128xf32, #tpu.memory_space<hbm>>
    tpu.enqueue_indirect_dma source(%dma_start3A_32 : memref<1000000x128xf32, #tpu.memory_space<hbm>>) target(%arg6 : memref<160x128xf32, #tpu.memory_space<vmem>>) offsets(%dma_start3A_29 : memref<160xi32, #tpu.memory_space<vmem>>) semaphore(%arg10 : memref<!tpu.dma_semaphore, #tpu.memory_space<semaphore_mem>>)
    %dma_wait3A_33 = arith.constant 160 : i32
    %dma_wait3A_34 = tpu.memref_slice %arg5[%dma_wait3A_33] : memref<2560xi32, #tpu.memory_space<vmem>> -> memref<160xi32, #tpu.memory_space<vmem>>
    %dma_wait3A_35 = arith.constant 0 : i32
    %dma_wait3A_36 = arith.constant 0 : i32
    %dma_wait3A_37 = tpu.memref_slice %arg2[%dma_wait3A_35, %dma_wait3A_36] : memref<1000000x128xf32, #tpu.memory_space<hbm>> -> memref<1000000x128xf32, #tpu.memory_space<hbm>>
    tpu.wait_indirect_dma semaphore(%arg11 : memref<!tpu.dma_semaphore, #tpu.memory_space<semaphore_mem>>) src(%dma_wait3A_37 : memref<1000000x128xf32, #tpu.memory_space<hbm>>) dst(%arg7 : memref<160x128xf32, #tpu.memory_space<vmem>>)
    %add3A_38 = arith.constant 160 : i32
    %add3A_39 = arith.addi %mul3A_2, %add3A_38 : i32
    "tpu.region"() ({
      %run_scoped3A = tpu.sem_alloc : memref<!tpu.dma_semaphore, #tpu.memory_space<semaphore_mem>>
      %dma_start3A_193 = arith.constant 0 : i32
      %dma_start3A_194 = tpu.memref_slice %arg4[%add3A_39, %dma_start3A_193] : memref<81920x128xf32, #tpu.memory_space<hbm>> -> memref<160x128xf32, #tpu.memory_space<hbm>>
      %dma_start3A_195 = arith.constant 0 : i32
      %dma_start3A_196 = tpu.memref_slice %arg4[%add3A_39, %dma_start3A_195] : memref<81920x128xf32, #tpu.memory_space<hbm>> -> memref<160x128xf32, #tpu.memory_space<hbm>>
      tpu.enqueue_dma source(%arg7 : memref<160x128xf32, #tpu.memory_space<vmem>>) target(%dma_start3A_196 : memref<160x128xf32, #tpu.memory_space<hbm>>) target_semaphore(%run_scoped3A : memref<!tpu.dma_semaphore, #tpu.memory_space<semaphore_mem>>)
      %dma_wait3A_197 = arith.constant 0 : i32
      %dma_wait3A_198 = tpu.memref_slice %arg4[%add3A_39, %dma_wait3A_197] : memref<81920x128xf32, #tpu.memory_space<hbm>> -> memref<160x128xf32, #tpu.memory_space<hbm>>
      %dma_wait3A_199 = arith.constant 0 : i32
      %dma_wait3A_200 = tpu.memref_slice %arg4[%add3A_39, %dma_wait3A_199] : memref<81920x128xf32, #tpu.memory_space<hbm>> -> memref<160x128xf32, #tpu.memory_space<hbm>>
      tpu.wait_dma2 semaphore(%run_scoped3A : memref<!tpu.dma_semaphore, #tpu.memory_space<semaphore_mem>>) src(%arg7 : memref<160x128xf32, #tpu.memory_space<vmem>>) dst(%dma_wait3A_200 : memref<160x128xf32, #tpu.memory_space<hbm>>)
      tpu.yield
    }) : () -> ()
    %dma_start3A_40 = arith.constant 800 : i32
    %dma_start3A_41 = tpu.memref_slice %arg5[%dma_start3A_40] : memref<2560xi32, #tpu.memory_space<vmem>> -> memref<160xi32, #tpu.memory_space<vmem>>
    %dma_start3A_42 = arith.constant 0 : i32
    %dma_start3A_43 = arith.constant 0 : i32
    %dma_start3A_44 = tpu.memref_slice %arg2[%dma_start3A_42, %dma_start3A_43] : memref<1000000x128xf32, #tpu.memory_space<hbm>> -> memref<1000000x128xf32, #tpu.memory_space<hbm>>
    tpu.enqueue_indirect_dma source(%dma_start3A_44 : memref<1000000x128xf32, #tpu.memory_space<hbm>>) target(%arg7 : memref<160x128xf32, #tpu.memory_space<vmem>>) offsets(%dma_start3A_41 : memref<160xi32, #tpu.memory_space<vmem>>) semaphore(%arg11 : memref<!tpu.dma_semaphore, #tpu.memory_space<semaphore_mem>>)
    %dma_wait3A_45 = arith.constant 320 : i32
    %dma_wait3A_46 = tpu.memref_slice %arg5[%dma_wait3A_45] : memref<2560xi32, #tpu.memory_space<vmem>> -> memref<160xi32, #tpu.memory_space<vmem>>
    %dma_wait3A_47 = arith.constant 0 : i32
    %dma_wait3A_48 = arith.constant 0 : i32
    %dma_wait3A_49 = tpu.memref_slice %arg2[%dma_wait3A_47, %dma_wait3A_48] : memref<1000000x128xf32, #tpu.memory_space<hbm>> -> memref<1000000x128xf32, #tpu.memory_space<hbm>>
    tpu.wait_indirect_dma semaphore(%arg12 : memref<!tpu.dma_semaphore, #tpu.memory_space<semaphore_mem>>) src(%dma_wait3A_49 : memref<1000000x128xf32, #tpu.memory_space<hbm>>) dst(%arg8 : memref<160x128xf32, #tpu.memory_space<vmem>>)
    %add3A_50 = arith.constant 320 : i32
    %add3A_51 = arith.addi %mul3A_2, %add3A_50 : i32
    "tpu.region"() ({
      %run_scoped3A = tpu.sem_alloc : memref<!tpu.dma_semaphore, #tpu.memory_space<semaphore_mem>>
      %dma_start3A_193 = arith.constant 0 : i32
      %dma_start3A_194 = tpu.memref_slice %arg4[%add3A_51, %dma_start3A_193] : memref<81920x128xf32, #tpu.memory_space<hbm>> -> memref<160x128xf32, #tpu.memory_space<hbm>>
      %dma_start3A_195 = arith.constant 0 : i32
      %dma_start3A_196 = tpu.memref_slice %arg4[%add3A_51, %dma_start3A_195] : memref<81920x128xf32, #tpu.memory_space<hbm>> -> memref<160x128xf32, #tpu.memory_space<hbm>>
      tpu.enqueue_dma source(%arg8 : memref<160x128xf32, #tpu.memory_space<vmem>>) target(%dma_start3A_196 : memref<160x128xf32, #tpu.memory_space<hbm>>) target_semaphore(%run_scoped3A : memref<!tpu.dma_semaphore, #tpu.memory_space<semaphore_mem>>)
      %dma_wait3A_197 = arith.constant 0 : i32
      %dma_wait3A_198 = tpu.memref_slice %arg4[%add3A_51, %dma_wait3A_197] : memref<81920x128xf32, #tpu.memory_space<hbm>> -> memref<160x128xf32, #tpu.memory_space<hbm>>
      %dma_wait3A_199 = arith.constant 0 : i32
      %dma_wait3A_200 = tpu.memref_slice %arg4[%add3A_51, %dma_wait3A_199] : memref<81920x128xf32, #tpu.memory_space<hbm>> -> memref<160x128xf32, #tpu.memory_space<hbm>>
      tpu.wait_dma2 semaphore(%run_scoped3A : memref<!tpu.dma_semaphore, #tpu.memory_space<semaphore_mem>>) src(%arg8 : memref<160x128xf32, #tpu.memory_space<vmem>>) dst(%dma_wait3A_200 : memref<160x128xf32, #tpu.memory_space<hbm>>)
      tpu.yield
    }) : () -> ()
    %dma_start3A_52 = arith.constant 960 : i32
    %dma_start3A_53 = tpu.memref_slice %arg5[%dma_start3A_52] : memref<2560xi32, #tpu.memory_space<vmem>> -> memref<160xi32, #tpu.memory_space<vmem>>
    %dma_start3A_54 = arith.constant 0 : i32
    %dma_start3A_55 = arith.constant 0 : i32
    %dma_start3A_56 = tpu.memref_slice %arg2[%dma_start3A_54, %dma_start3A_55] : memref<1000000x128xf32, #tpu.memory_space<hbm>> -> memref<1000000x128xf32, #tpu.memory_space<hbm>>
    tpu.enqueue_indirect_dma source(%dma_start3A_56 : memref<1000000x128xf32, #tpu.memory_space<hbm>>) target(%arg8 : memref<160x128xf32, #tpu.memory_space<vmem>>) offsets(%dma_start3A_53 : memref<160xi32, #tpu.memory_space<vmem>>) semaphore(%arg12 : memref<!tpu.dma_semaphore, #tpu.memory_space<semaphore_mem>>)
    %dma_wait3A_57 = arith.constant 480 : i32
    %dma_wait3A_58 = tpu.memref_slice %arg5[%dma_wait3A_57] : memref<2560xi32, #tpu.memory_space<vmem>> -> memref<160xi32, #tpu.memory_space<vmem>>
    %dma_wait3A_59 = arith.constant 0 : i32
    %dma_wait3A_60 = arith.constant 0 : i32
    %dma_wait3A_61 = tpu.memref_slice %arg2[%dma_wait3A_59, %dma_wait3A_60] : memref<1000000x128xf32, #tpu.memory_space<hbm>> -> memref<1000000x128xf32, #tpu.memory_space<hbm>>
    tpu.wait_indirect_dma semaphore(%arg13 : memref<!tpu.dma_semaphore, #tpu.memory_space<semaphore_mem>>) src(%dma_wait3A_61 : memref<1000000x128xf32, #tpu.memory_space<hbm>>) dst(%arg9 : memref<160x128xf32, #tpu.memory_space<vmem>>)
    %add3A_62 = arith.constant 480 : i32
    %add3A_63 = arith.addi %mul3A_2, %add3A_62 : i32
    "tpu.region"() ({
      %run_scoped3A = tpu.sem_alloc : memref<!tpu.dma_semaphore, #tpu.memory_space<semaphore_mem>>
      %dma_start3A_193 = arith.constant 0 : i32
      %dma_start3A_194 = tpu.memref_slice %arg4[%add3A_63, %dma_start3A_193] : memref<81920x128xf32, #tpu.memory_space<hbm>> -> memref<160x128xf32, #tpu.memory_space<hbm>>
      %dma_start3A_195 = arith.constant 0 : i32
      %dma_start3A_196 = tpu.memref_slice %arg4[%add3A_63, %dma_start3A_195] : memref<81920x128xf32, #tpu.memory_space<hbm>> -> memref<160x128xf32, #tpu.memory_space<hbm>>
      tpu.enqueue_dma source(%arg9 : memref<160x128xf32, #tpu.memory_space<vmem>>) target(%dma_start3A_196 : memref<160x128xf32, #tpu.memory_space<hbm>>) target_semaphore(%run_scoped3A : memref<!tpu.dma_semaphore, #tpu.memory_space<semaphore_mem>>)
      %dma_wait3A_197 = arith.constant 0 : i32
      %dma_wait3A_198 = tpu.memref_slice %arg4[%add3A_63, %dma_wait3A_197] : memref<81920x128xf32, #tpu.memory_space<hbm>> -> memref<160x128xf32, #tpu.memory_space<hbm>>
      %dma_wait3A_199 = arith.constant 0 : i32
      %dma_wait3A_200 = tpu.memref_slice %arg4[%add3A_63, %dma_wait3A_199] : memref<81920x128xf32, #tpu.memory_space<hbm>> -> memref<160x128xf32, #tpu.memory_space<hbm>>
      tpu.wait_dma2 semaphore(%run_scoped3A : memref<!tpu.dma_semaphore, #tpu.memory_space<semaphore_mem>>) src(%arg9 : memref<160x128xf32, #tpu.memory_space<vmem>>) dst(%dma_wait3A_200 : memref<160x128xf32, #tpu.memory_space<hbm>>)
      tpu.yield
    }) : () -> ()
    %dma_start3A_64 = arith.constant 1120 : i32
    %dma_start3A_65 = tpu.memref_slice %arg5[%dma_start3A_64] : memref<2560xi32, #tpu.memory_space<vmem>> -> memref<160xi32, #tpu.memory_space<vmem>>
    %dma_start3A_66 = arith.constant 0 : i32
    %dma_start3A_67 = arith.constant 0 : i32
    %dma_start3A_68 = tpu.memref_slice %arg2[%dma_start3A_66, %dma_start3A_67] : memref<1000000x128xf32, #tpu.memory_space<hbm>> -> memref<1000000x128xf32, #tpu.memory_space<hbm>>
    tpu.enqueue_indirect_dma source(%dma_start3A_68 : memref<1000000x128xf32, #tpu.memory_space<hbm>>) target(%arg9 : memref<160x128xf32, #tpu.memory_space<vmem>>) offsets(%dma_start3A_65 : memref<160xi32, #tpu.memory_space<vmem>>) semaphore(%arg13 : memref<!tpu.dma_semaphore, #tpu.memory_space<semaphore_mem>>)
    %dma_wait3A_69 = arith.constant 640 : i32
    %dma_wait3A_70 = tpu.memref_slice %arg5[%dma_wait3A_69] : memref<2560xi32, #tpu.memory_space<vmem>> -> memref<160xi32, #tpu.memory_space<vmem>>
    %dma_wait3A_71 = arith.constant 0 : i32
    %dma_wait3A_72 = arith.constant 0 : i32
    %dma_wait3A_73 = tpu.memref_slice %arg2[%dma_wait3A_71, %dma_wait3A_72] : memref<1000000x128xf32, #tpu.memory_space<hbm>> -> memref<1000000x128xf32, #tpu.memory_space<hbm>>
    tpu.wait_indirect_dma semaphore(%arg10 : memref<!tpu.dma_semaphore, #tpu.memory_space<semaphore_mem>>) src(%dma_wait3A_73 : memref<1000000x128xf32, #tpu.memory_space<hbm>>) dst(%arg6 : memref<160x128xf32, #tpu.memory_space<vmem>>)
    %add3A_74 = arith.constant 640 : i32
    %add3A_75 = arith.addi %mul3A_2, %add3A_74 : i32
    "tpu.region"() ({
      %run_scoped3A = tpu.sem_alloc : memref<!tpu.dma_semaphore, #tpu.memory_space<semaphore_mem>>
      %dma_start3A_193 = arith.constant 0 : i32
      %dma_start3A_194 = tpu.memref_slice %arg4[%add3A_75, %dma_start3A_193] : memref<81920x128xf32, #tpu.memory_space<hbm>> -> memref<160x128xf32, #tpu.memory_space<hbm>>
      %dma_start3A_195 = arith.constant 0 : i32
      %dma_start3A_196 = tpu.memref_slice %arg4[%add3A_75, %dma_start3A_195] : memref<81920x128xf32, #tpu.memory_space<hbm>> -> memref<160x128xf32, #tpu.memory_space<hbm>>
      tpu.enqueue_dma source(%arg6 : memref<160x128xf32, #tpu.memory_space<vmem>>) target(%dma_start3A_196 : memref<160x128xf32, #tpu.memory_space<hbm>>) target_semaphore(%run_scoped3A : memref<!tpu.dma_semaphore, #tpu.memory_space<semaphore_mem>>)
      %dma_wait3A_197 = arith.constant 0 : i32
      %dma_wait3A_198 = tpu.memref_slice %arg4[%add3A_75, %dma_wait3A_197] : memref<81920x128xf32, #tpu.memory_space<hbm>> -> memref<160x128xf32, #tpu.memory_space<hbm>>
      %dma_wait3A_199 = arith.constant 0 : i32
      %dma_wait3A_200 = tpu.memref_slice %arg4[%add3A_75, %dma_wait3A_199] : memref<81920x128xf32, #tpu.memory_space<hbm>> -> memref<160x128xf32, #tpu.memory_space<hbm>>
      tpu.wait_dma2 semaphore(%run_scoped3A : memref<!tpu.dma_semaphore, #tpu.memory_space<semaphore_mem>>) src(%arg6 : memref<160x128xf32, #tpu.memory_space<vmem>>) dst(%dma_wait3A_200 : memref<160x128xf32, #tpu.memory_space<hbm>>)
      tpu.yield
    }) : () -> ()
    %dma_start3A_76 = arith.constant 1280 : i32
    %dma_start3A_77 = tpu.memref_slice %arg5[%dma_start3A_76] : memref<2560xi32, #tpu.memory_space<vmem>> -> memref<160xi32, #tpu.memory_space<vmem>>
    %dma_start3A_78 = arith.constant 0 : i32
    %dma_start3A_79 = arith.constant 0 : i32
    %dma_start3A_80 = tpu.memref_slice %arg2[%dma_start3A_78, %dma_start3A_79] : memref<1000000x128xf32, #tpu.memory_space<hbm>> -> memref<1000000x128xf32, #tpu.memory_space<hbm>>
    tpu.enqueue_indirect_dma source(%dma_start3A_80 : memref<1000000x128xf32, #tpu.memory_space<hbm>>) target(%arg6 : memref<160x128xf32, #tpu.memory_space<vmem>>) offsets(%dma_start3A_77 : memref<160xi32, #tpu.memory_space<vmem>>) semaphore(%arg10 : memref<!tpu.dma_semaphore, #tpu.memory_space<semaphore_mem>>)
    %dma_wait3A_81 = arith.constant 800 : i32
    %dma_wait3A_82 = tpu.memref_slice %arg5[%dma_wait3A_81] : memref<2560xi32, #tpu.memory_space<vmem>> -> memref<160xi32, #tpu.memory_space<vmem>>
    %dma_wait3A_83 = arith.constant 0 : i32
    %dma_wait3A_84 = arith.constant 0 : i32
    %dma_wait3A_85 = tpu.memref_slice %arg2[%dma_wait3A_83, %dma_wait3A_84] : memref<1000000x128xf32, #tpu.memory_space<hbm>> -> memref<1000000x128xf32, #tpu.memory_space<hbm>>
    tpu.wait_indirect_dma semaphore(%arg11 : memref<!tpu.dma_semaphore, #tpu.memory_space<semaphore_mem>>) src(%dma_wait3A_85 : memref<1000000x128xf32, #tpu.memory_space<hbm>>) dst(%arg7 : memref<160x128xf32, #tpu.memory_space<vmem>>)
    %add3A_86 = arith.constant 800 : i32
    %add3A_87 = arith.addi %mul3A_2, %add3A_86 : i32
    "tpu.region"() ({
      %run_scoped3A = tpu.sem_alloc : memref<!tpu.dma_semaphore, #tpu.memory_space<semaphore_mem>>
      %dma_start3A_193 = arith.constant 0 : i32
      %dma_start3A_194 = tpu.memref_slice %arg4[%add3A_87, %dma_start3A_193] : memref<81920x128xf32, #tpu.memory_space<hbm>> -> memref<160x128xf32, #tpu.memory_space<hbm>>
      %dma_start3A_195 = arith.constant 0 : i32
      %dma_start3A_196 = tpu.memref_slice %arg4[%add3A_87, %dma_start3A_195] : memref<81920x128xf32, #tpu.memory_space<hbm>> -> memref<160x128xf32, #tpu.memory_space<hbm>>
      tpu.enqueue_dma source(%arg7 : memref<160x128xf32, #tpu.memory_space<vmem>>) target(%dma_start3A_196 : memref<160x128xf32, #tpu.memory_space<hbm>>) target_semaphore(%run_scoped3A : memref<!tpu.dma_semaphore, #tpu.memory_space<semaphore_mem>>)
      %dma_wait3A_197 = arith.constant 0 : i32
      %dma_wait3A_198 = tpu.memref_slice %arg4[%add3A_87, %dma_wait3A_197] : memref<81920x128xf32, #tpu.memory_space<hbm>> -> memref<160x128xf32, #tpu.memory_space<hbm>>
      %dma_wait3A_199 = arith.constant 0 : i32
      %dma_wait3A_200 = tpu.memref_slice %arg4[%add3A_87, %dma_wait3A_199] : memref<81920x128xf32, #tpu.memory_space<hbm>> -> memref<160x128xf32, #tpu.memory_space<hbm>>
      tpu.wait_dma2 semaphore(%run_scoped3A : memref<!tpu.dma_semaphore, #tpu.memory_space<semaphore_mem>>) src(%arg7 : memref<160x128xf32, #tpu.memory_space<vmem>>) dst(%dma_wait3A_200 : memref<160x128xf32, #tpu.memory_space<hbm>>)
      tpu.yield
    }) : () -> ()
    %dma_start3A_88 = arith.constant 1440 : i32
    %dma_start3A_89 = tpu.memref_slice %arg5[%dma_start3A_88] : memref<2560xi32, #tpu.memory_space<vmem>> -> memref<160xi32, #tpu.memory_space<vmem>>
    %dma_start3A_90 = arith.constant 0 : i32
    %dma_start3A_91 = arith.constant 0 : i32
    %dma_start3A_92 = tpu.memref_slice %arg2[%dma_start3A_90, %dma_start3A_91] : memref<1000000x128xf32, #tpu.memory_space<hbm>> -> memref<1000000x128xf32, #tpu.memory_space<hbm>>
    tpu.enqueue_indirect_dma source(%dma_start3A_92 : memref<1000000x128xf32, #tpu.memory_space<hbm>>) target(%arg7 : memref<160x128xf32, #tpu.memory_space<vmem>>) offsets(%dma_start3A_89 : memref<160xi32, #tpu.memory_space<vmem>>) semaphore(%arg11 : memref<!tpu.dma_semaphore, #tpu.memory_space<semaphore_mem>>)
    %dma_wait3A_93 = arith.constant 960 : i32
    %dma_wait3A_94 = tpu.memref_slice %arg5[%dma_wait3A_93] : memref<2560xi32, #tpu.memory_space<vmem>> -> memref<160xi32, #tpu.memory_space<vmem>>
    %dma_wait3A_95 = arith.constant 0 : i32
    %dma_wait3A_96 = arith.constant 0 : i32
    %dma_wait3A_97 = tpu.memref_slice %arg2[%dma_wait3A_95, %dma_wait3A_96] : memref<1000000x128xf32, #tpu.memory_space<hbm>> -> memref<1000000x128xf32, #tpu.memory_space<hbm>>
    tpu.wait_indirect_dma semaphore(%arg12 : memref<!tpu.dma_semaphore, #tpu.memory_space<semaphore_mem>>) src(%dma_wait3A_97 : memref<1000000x128xf32, #tpu.memory_space<hbm>>) dst(%arg8 : memref<160x128xf32, #tpu.memory_space<vmem>>)
    %add3A_98 = arith.constant 960 : i32
    %add3A_99 = arith.addi %mul3A_2, %add3A_98 : i32
    "tpu.region"() ({
      %run_scoped3A = tpu.sem_alloc : memref<!tpu.dma_semaphore, #tpu.memory_space<semaphore_mem>>
      %dma_start3A_193 = arith.constant 0 : i32
      %dma_start3A_194 = tpu.memref_slice %arg4[%add3A_99, %dma_start3A_193] : memref<81920x128xf32, #tpu.memory_space<hbm>> -> memref<160x128xf32, #tpu.memory_space<hbm>>
      %dma_start3A_195 = arith.constant 0 : i32
      %dma_start3A_196 = tpu.memref_slice %arg4[%add3A_99, %dma_start3A_195] : memref<81920x128xf32, #tpu.memory_space<hbm>> -> memref<160x128xf32, #tpu.memory_space<hbm>>
      tpu.enqueue_dma source(%arg8 : memref<160x128xf32, #tpu.memory_space<vmem>>) target(%dma_start3A_196 : memref<160x128xf32, #tpu.memory_space<hbm>>) target_semaphore(%run_scoped3A : memref<!tpu.dma_semaphore, #tpu.memory_space<semaphore_mem>>)
      %dma_wait3A_197 = arith.constant 0 : i32
      %dma_wait3A_198 = tpu.memref_slice %arg4[%add3A_99, %dma_wait3A_197] : memref<81920x128xf32, #tpu.memory_space<hbm>> -> memref<160x128xf32, #tpu.memory_space<hbm>>
      %dma_wait3A_199 = arith.constant 0 : i32
      %dma_wait3A_200 = tpu.memref_slice %arg4[%add3A_99, %dma_wait3A_199] : memref<81920x128xf32, #tpu.memory_space<hbm>> -> memref<160x128xf32, #tpu.memory_space<hbm>>
      tpu.wait_dma2 semaphore(%run_scoped3A : memref<!tpu.dma_semaphore, #tpu.memory_space<semaphore_mem>>) src(%arg8 : memref<160x128xf32, #tpu.memory_space<vmem>>) dst(%dma_wait3A_200 : memref<160x128xf32, #tpu.memory_space<hbm>>)
      tpu.yield
    }) : () -> ()
    %dma_start3A_100 = arith.constant 1600 : i32
    %dma_start3A_101 = tpu.memref_slice %arg5[%dma_start3A_100] : memref<2560xi32, #tpu.memory_space<vmem>> -> memref<160xi32, #tpu.memory_space<vmem>>
    %dma_start3A_102 = arith.constant 0 : i32
    %dma_start3A_103 = arith.constant 0 : i32
    %dma_start3A_104 = tpu.memref_slice %arg2[%dma_start3A_102, %dma_start3A_103] : memref<1000000x128xf32, #tpu.memory_space<hbm>> -> memref<1000000x128xf32, #tpu.memory_space<hbm>>
    tpu.enqueue_indirect_dma source(%dma_start3A_104 : memref<1000000x128xf32, #tpu.memory_space<hbm>>) target(%arg8 : memref<160x128xf32, #tpu.memory_space<vmem>>) offsets(%dma_start3A_101 : memref<160xi32, #tpu.memory_space<vmem>>) semaphore(%arg12 : memref<!tpu.dma_semaphore, #tpu.memory_space<semaphore_mem>>)
    %dma_wait3A_105 = arith.constant 1120 : i32
    %dma_wait3A_106 = tpu.memref_slice %arg5[%dma_wait3A_105] : memref<2560xi32, #tpu.memory_space<vmem>> -> memref<160xi32, #tpu.memory_space<vmem>>
    %dma_wait3A_107 = arith.constant 0 : i32
    %dma_wait3A_108 = arith.constant 0 : i32
    %dma_wait3A_109 = tpu.memref_slice %arg2[%dma_wait3A_107, %dma_wait3A_108] : memref<1000000x128xf32, #tpu.memory_space<hbm>> -> memref<1000000x128xf32, #tpu.memory_space<hbm>>
    tpu.wait_indirect_dma semaphore(%arg13 : memref<!tpu.dma_semaphore, #tpu.memory_space<semaphore_mem>>) src(%dma_wait3A_109 : memref<1000000x128xf32, #tpu.memory_space<hbm>>) dst(%arg9 : memref<160x128xf32, #tpu.memory_space<vmem>>)
    %add3A_110 = arith.constant 1120 : i32
    %add3A_111 = arith.addi %mul3A_2, %add3A_110 : i32
    "tpu.region"() ({
      %run_scoped3A = tpu.sem_alloc : memref<!tpu.dma_semaphore, #tpu.memory_space<semaphore_mem>>
      %dma_start3A_193 = arith.constant 0 : i32
      %dma_start3A_194 = tpu.memref_slice %arg4[%add3A_111, %dma_start3A_193] : memref<81920x128xf32, #tpu.memory_space<hbm>> -> memref<160x128xf32, #tpu.memory_space<hbm>>
      %dma_start3A_195 = arith.constant 0 : i32
      %dma_start3A_196 = tpu.memref_slice %arg4[%add3A_111, %dma_start3A_195] : memref<81920x128xf32, #tpu.memory_space<hbm>> -> memref<160x128xf32, #tpu.memory_space<hbm>>
      tpu.enqueue_dma source(%arg9 : memref<160x128xf32, #tpu.memory_space<vmem>>) target(%dma_start3A_196 : memref<160x128xf32, #tpu.memory_space<hbm>>) target_semaphore(%run_scoped3A : memref<!tpu.dma_semaphore, #tpu.memory_space<semaphore_mem>>)
      %dma_wait3A_197 = arith.constant 0 : i32
      %dma_wait3A_198 = tpu.memref_slice %arg4[%add3A_111, %dma_wait3A_197] : memref<81920x128xf32, #tpu.memory_space<hbm>> -> memref<160x128xf32, #tpu.memory_space<hbm>>
      %dma_wait3A_199 = arith.constant 0 : i32
      %dma_wait3A_200 = tpu.memref_slice %arg4[%add3A_111, %dma_wait3A_199] : memref<81920x128xf32, #tpu.memory_space<hbm>> -> memref<160x128xf32, #tpu.memory_space<hbm>>
      tpu.wait_dma2 semaphore(%run_scoped3A : memref<!tpu.dma_semaphore, #tpu.memory_space<semaphore_mem>>) src(%arg9 : memref<160x128xf32, #tpu.memory_space<vmem>>) dst(%dma_wait3A_200 : memref<160x128xf32, #tpu.memory_space<hbm>>)
      tpu.yield
    }) : () -> ()
    %dma_start3A_112 = arith.constant 1760 : i32
    %dma_start3A_113 = tpu.memref_slice %arg5[%dma_start3A_112] : memref<2560xi32, #tpu.memory_space<vmem>> -> memref<160xi32, #tpu.memory_space<vmem>>
    %dma_start3A_114 = arith.constant 0 : i32
    %dma_start3A_115 = arith.constant 0 : i32
    %dma_start3A_116 = tpu.memref_slice %arg2[%dma_start3A_114, %dma_start3A_115] : memref<1000000x128xf32, #tpu.memory_space<hbm>> -> memref<1000000x128xf32, #tpu.memory_space<hbm>>
    tpu.enqueue_indirect_dma source(%dma_start3A_116 : memref<1000000x128xf32, #tpu.memory_space<hbm>>) target(%arg9 : memref<160x128xf32, #tpu.memory_space<vmem>>) offsets(%dma_start3A_113 : memref<160xi32, #tpu.memory_space<vmem>>) semaphore(%arg13 : memref<!tpu.dma_semaphore, #tpu.memory_space<semaphore_mem>>)
    %dma_wait3A_117 = arith.constant 1280 : i32
    %dma_wait3A_118 = tpu.memref_slice %arg5[%dma_wait3A_117] : memref<2560xi32, #tpu.memory_space<vmem>> -> memref<160xi32, #tpu.memory_space<vmem>>
    %dma_wait3A_119 = arith.constant 0 : i32
    %dma_wait3A_120 = arith.constant 0 : i32
    %dma_wait3A_121 = tpu.memref_slice %arg2[%dma_wait3A_119, %dma_wait3A_120] : memref<1000000x128xf32, #tpu.memory_space<hbm>> -> memref<1000000x128xf32, #tpu.memory_space<hbm>>
    tpu.wait_indirect_dma semaphore(%arg10 : memref<!tpu.dma_semaphore, #tpu.memory_space<semaphore_mem>>) src(%dma_wait3A_121 : memref<1000000x128xf32, #tpu.memory_space<hbm>>) dst(%arg6 : memref<160x128xf32, #tpu.memory_space<vmem>>)
    %add3A_122 = arith.constant 1280 : i32
    %add3A_123 = arith.addi %mul3A_2, %add3A_122 : i32
    "tpu.region"() ({
      %run_scoped3A = tpu.sem_alloc : memref<!tpu.dma_semaphore, #tpu.memory_space<semaphore_mem>>
      %dma_start3A_193 = arith.constant 0 : i32
      %dma_start3A_194 = tpu.memref_slice %arg4[%add3A_123, %dma_start3A_193] : memref<81920x128xf32, #tpu.memory_space<hbm>> -> memref<160x128xf32, #tpu.memory_space<hbm>>
      %dma_start3A_195 = arith.constant 0 : i32
      %dma_start3A_196 = tpu.memref_slice %arg4[%add3A_123, %dma_start3A_195] : memref<81920x128xf32, #tpu.memory_space<hbm>> -> memref<160x128xf32, #tpu.memory_space<hbm>>
      tpu.enqueue_dma source(%arg6 : memref<160x128xf32, #tpu.memory_space<vmem>>) target(%dma_start3A_196 : memref<160x128xf32, #tpu.memory_space<hbm>>) target_semaphore(%run_scoped3A : memref<!tpu.dma_semaphore, #tpu.memory_space<semaphore_mem>>)
      %dma_wait3A_197 = arith.constant 0 : i32
      %dma_wait3A_198 = tpu.memref_slice %arg4[%add3A_123, %dma_wait3A_197] : memref<81920x128xf32, #tpu.memory_space<hbm>> -> memref<160x128xf32, #tpu.memory_space<hbm>>
      %dma_wait3A_199 = arith.constant 0 : i32
      %dma_wait3A_200 = tpu.memref_slice %arg4[%add3A_123, %dma_wait3A_199] : memref<81920x128xf32, #tpu.memory_space<hbm>> -> memref<160x128xf32, #tpu.memory_space<hbm>>
      tpu.wait_dma2 semaphore(%run_scoped3A : memref<!tpu.dma_semaphore, #tpu.memory_space<semaphore_mem>>) src(%arg6 : memref<160x128xf32, #tpu.memory_space<vmem>>) dst(%dma_wait3A_200 : memref<160x128xf32, #tpu.memory_space<hbm>>)
      tpu.yield
    }) : () -> ()
    %dma_start3A_124 = arith.constant 1920 : i32
    %dma_start3A_125 = tpu.memref_slice %arg5[%dma_start3A_124] : memref<2560xi32, #tpu.memory_space<vmem>> -> memref<160xi32, #tpu.memory_space<vmem>>
    %dma_start3A_126 = arith.constant 0 : i32
    %dma_start3A_127 = arith.constant 0 : i32
    %dma_start3A_128 = tpu.memref_slice %arg2[%dma_start3A_126, %dma_start3A_127] : memref<1000000x128xf32, #tpu.memory_space<hbm>> -> memref<1000000x128xf32, #tpu.memory_space<hbm>>
    tpu.enqueue_indirect_dma source(%dma_start3A_128 : memref<1000000x128xf32, #tpu.memory_space<hbm>>) target(%arg6 : memref<160x128xf32, #tpu.memory_space<vmem>>) offsets(%dma_start3A_125 : memref<160xi32, #tpu.memory_space<vmem>>) semaphore(%arg10 : memref<!tpu.dma_semaphore, #tpu.memory_space<semaphore_mem>>)
    %dma_wait3A_129 = arith.constant 1440 : i32
    %dma_wait3A_130 = tpu.memref_slice %arg5[%dma_wait3A_129] : memref<2560xi32, #tpu.memory_space<vmem>> -> memref<160xi32, #tpu.memory_space<vmem>>
    %dma_wait3A_131 = arith.constant 0 : i32
    %dma_wait3A_132 = arith.constant 0 : i32
    %dma_wait3A_133 = tpu.memref_slice %arg2[%dma_wait3A_131, %dma_wait3A_132] : memref<1000000x128xf32, #tpu.memory_space<hbm>> -> memref<1000000x128xf32, #tpu.memory_space<hbm>>
    tpu.wait_indirect_dma semaphore(%arg11 : memref<!tpu.dma_semaphore, #tpu.memory_space<semaphore_mem>>) src(%dma_wait3A_133 : memref<1000000x128xf32, #tpu.memory_space<hbm>>) dst(%arg7 : memref<160x128xf32, #tpu.memory_space<vmem>>)
    %add3A_134 = arith.constant 1440 : i32
    %add3A_135 = arith.addi %mul3A_2, %add3A_134 : i32
    "tpu.region"() ({
      %run_scoped3A = tpu.sem_alloc : memref<!tpu.dma_semaphore, #tpu.memory_space<semaphore_mem>>
      %dma_start3A_193 = arith.constant 0 : i32
      %dma_start3A_194 = tpu.memref_slice %arg4[%add3A_135, %dma_start3A_193] : memref<81920x128xf32, #tpu.memory_space<hbm>> -> memref<160x128xf32, #tpu.memory_space<hbm>>
      %dma_start3A_195 = arith.constant 0 : i32
      %dma_start3A_196 = tpu.memref_slice %arg4[%add3A_135, %dma_start3A_195] : memref<81920x128xf32, #tpu.memory_space<hbm>> -> memref<160x128xf32, #tpu.memory_space<hbm>>
      tpu.enqueue_dma source(%arg7 : memref<160x128xf32, #tpu.memory_space<vmem>>) target(%dma_start3A_196 : memref<160x128xf32, #tpu.memory_space<hbm>>) target_semaphore(%run_scoped3A : memref<!tpu.dma_semaphore, #tpu.memory_space<semaphore_mem>>)
      %dma_wait3A_197 = arith.constant 0 : i32
      %dma_wait3A_198 = tpu.memref_slice %arg4[%add3A_135, %dma_wait3A_197] : memref<81920x128xf32, #tpu.memory_space<hbm>> -> memref<160x128xf32, #tpu.memory_space<hbm>>
      %dma_wait3A_199 = arith.constant 0 : i32
      %dma_wait3A_200 = tpu.memref_slice %arg4[%add3A_135, %dma_wait3A_199] : memref<81920x128xf32, #tpu.memory_space<hbm>> -> memref<160x128xf32, #tpu.memory_space<hbm>>
      tpu.wait_dma2 semaphore(%run_scoped3A : memref<!tpu.dma_semaphore, #tpu.memory_space<semaphore_mem>>) src(%arg7 : memref<160x128xf32, #tpu.memory_space<vmem>>) dst(%dma_wait3A_200 : memref<160x128xf32, #tpu.memory_space<hbm>>)
      tpu.yield
    }) : () -> ()
    %dma_start3A_136 = arith.constant 2080 : i32
    %dma_start3A_137 = tpu.memref_slice %arg5[%dma_start3A_136] : memref<2560xi32, #tpu.memory_space<vmem>> -> memref<160xi32, #tpu.memory_space<vmem>>
    %dma_start3A_138 = arith.constant 0 : i32
    %dma_start3A_139 = arith.constant 0 : i32
    %dma_start3A_140 = tpu.memref_slice %arg2[%dma_start3A_138, %dma_start3A_139] : memref<1000000x128xf32, #tpu.memory_space<hbm>> -> memref<1000000x128xf32, #tpu.memory_space<hbm>>
    tpu.enqueue_indirect_dma source(%dma_start3A_140 : memref<1000000x128xf32, #tpu.memory_space<hbm>>) target(%arg7 : memref<160x128xf32, #tpu.memory_space<vmem>>) offsets(%dma_start3A_137 : memref<160xi32, #tpu.memory_space<vmem>>) semaphore(%arg11 : memref<!tpu.dma_semaphore, #tpu.memory_space<semaphore_mem>>)
    %dma_wait3A_141 = arith.constant 1600 : i32
    %dma_wait3A_142 = tpu.memref_slice %arg5[%dma_wait3A_141] : memref<2560xi32, #tpu.memory_space<vmem>> -> memref<160xi32, #tpu.memory_space<vmem>>
    %dma_wait3A_143 = arith.constant 0 : i32
    %dma_wait3A_144 = arith.constant 0 : i32
    %dma_wait3A_145 = tpu.memref_slice %arg2[%dma_wait3A_143, %dma_wait3A_144] : memref<1000000x128xf32, #tpu.memory_space<hbm>> -> memref<1000000x128xf32, #tpu.memory_space<hbm>>
    tpu.wait_indirect_dma semaphore(%arg12 : memref<!tpu.dma_semaphore, #tpu.memory_space<semaphore_mem>>) src(%dma_wait3A_145 : memref<1000000x128xf32, #tpu.memory_space<hbm>>) dst(%arg8 : memref<160x128xf32, #tpu.memory_space<vmem>>)
    %add3A_146 = arith.constant 1600 : i32
    %add3A_147 = arith.addi %mul3A_2, %add3A_146 : i32
    "tpu.region"() ({
      %run_scoped3A = tpu.sem_alloc : memref<!tpu.dma_semaphore, #tpu.memory_space<semaphore_mem>>
      %dma_start3A_193 = arith.constant 0 : i32
      %dma_start3A_194 = tpu.memref_slice %arg4[%add3A_147, %dma_start3A_193] : memref<81920x128xf32, #tpu.memory_space<hbm>> -> memref<160x128xf32, #tpu.memory_space<hbm>>
      %dma_start3A_195 = arith.constant 0 : i32
      %dma_start3A_196 = tpu.memref_slice %arg4[%add3A_147, %dma_start3A_195] : memref<81920x128xf32, #tpu.memory_space<hbm>> -> memref<160x128xf32, #tpu.memory_space<hbm>>
      tpu.enqueue_dma source(%arg8 : memref<160x128xf32, #tpu.memory_space<vmem>>) target(%dma_start3A_196 : memref<160x128xf32, #tpu.memory_space<hbm>>) target_semaphore(%run_scoped3A : memref<!tpu.dma_semaphore, #tpu.memory_space<semaphore_mem>>)
      %dma_wait3A_197 = arith.constant 0 : i32
      %dma_wait3A_198 = tpu.memref_slice %arg4[%add3A_147, %dma_wait3A_197] : memref<81920x128xf32, #tpu.memory_space<hbm>> -> memref<160x128xf32, #tpu.memory_space<hbm>>
      %dma_wait3A_199 = arith.constant 0 : i32
      %dma_wait3A_200 = tpu.memref_slice %arg4[%add3A_147, %dma_wait3A_199] : memref<81920x128xf32, #tpu.memory_space<hbm>> -> memref<160x128xf32, #tpu.memory_space<hbm>>
      tpu.wait_dma2 semaphore(%run_scoped3A : memref<!tpu.dma_semaphore, #tpu.memory_space<semaphore_mem>>) src(%arg8 : memref<160x128xf32, #tpu.memory_space<vmem>>) dst(%dma_wait3A_200 : memref<160x128xf32, #tpu.memory_space<hbm>>)
      tpu.yield
    }) : () -> ()
    %dma_start3A_148 = arith.constant 2240 : i32
    %dma_start3A_149 = tpu.memref_slice %arg5[%dma_start3A_148] : memref<2560xi32, #tpu.memory_space<vmem>> -> memref<160xi32, #tpu.memory_space<vmem>>
    %dma_start3A_150 = arith.constant 0 : i32
    %dma_start3A_151 = arith.constant 0 : i32
    %dma_start3A_152 = tpu.memref_slice %arg2[%dma_start3A_150, %dma_start3A_151] : memref<1000000x128xf32, #tpu.memory_space<hbm>> -> memref<1000000x128xf32, #tpu.memory_space<hbm>>
    tpu.enqueue_indirect_dma source(%dma_start3A_152 : memref<1000000x128xf32, #tpu.memory_space<hbm>>) target(%arg8 : memref<160x128xf32, #tpu.memory_space<vmem>>) offsets(%dma_start3A_149 : memref<160xi32, #tpu.memory_space<vmem>>) semaphore(%arg12 : memref<!tpu.dma_semaphore, #tpu.memory_space<semaphore_mem>>)
    %dma_wait3A_153 = arith.constant 1760 : i32
    %dma_wait3A_154 = tpu.memref_slice %arg5[%dma_wait3A_153] : memref<2560xi32, #tpu.memory_space<vmem>> -> memref<160xi32, #tpu.memory_space<vmem>>
    %dma_wait3A_155 = arith.constant 0 : i32
    %dma_wait3A_156 = arith.constant 0 : i32
    %dma_wait3A_157 = tpu.memref_slice %arg2[%dma_wait3A_155, %dma_wait3A_156] : memref<1000000x128xf32, #tpu.memory_space<hbm>> -> memref<1000000x128xf32, #tpu.memory_space<hbm>>
    tpu.wait_indirect_dma semaphore(%arg13 : memref<!tpu.dma_semaphore, #tpu.memory_space<semaphore_mem>>) src(%dma_wait3A_157 : memref<1000000x128xf32, #tpu.memory_space<hbm>>) dst(%arg9 : memref<160x128xf32, #tpu.memory_space<vmem>>)
    %add3A_158 = arith.constant 1760 : i32
    %add3A_159 = arith.addi %mul3A_2, %add3A_158 : i32
    "tpu.region"() ({
      %run_scoped3A = tpu.sem_alloc : memref<!tpu.dma_semaphore, #tpu.memory_space<semaphore_mem>>
      %dma_start3A_193 = arith.constant 0 : i32
      %dma_start3A_194 = tpu.memref_slice %arg4[%add3A_159, %dma_start3A_193] : memref<81920x128xf32, #tpu.memory_space<hbm>> -> memref<160x128xf32, #tpu.memory_space<hbm>>
      %dma_start3A_195 = arith.constant 0 : i32
      %dma_start3A_196 = tpu.memref_slice %arg4[%add3A_159, %dma_start3A_195] : memref<81920x128xf32, #tpu.memory_space<hbm>> -> memref<160x128xf32, #tpu.memory_space<hbm>>
      tpu.enqueue_dma source(%arg9 : memref<160x128xf32, #tpu.memory_space<vmem>>) target(%dma_start3A_196 : memref<160x128xf32, #tpu.memory_space<hbm>>) target_semaphore(%run_scoped3A : memref<!tpu.dma_semaphore, #tpu.memory_space<semaphore_mem>>)
      %dma_wait3A_197 = arith.constant 0 : i32
      %dma_wait3A_198 = tpu.memref_slice %arg4[%add3A_159, %dma_wait3A_197] : memref<81920x128xf32, #tpu.memory_space<hbm>> -> memref<160x128xf32, #tpu.memory_space<hbm>>
      %dma_wait3A_199 = arith.constant 0 : i32
      %dma_wait3A_200 = tpu.memref_slice %arg4[%add3A_159, %dma_wait3A_199] : memref<81920x128xf32, #tpu.memory_space<hbm>> -> memref<160x128xf32, #tpu.memory_space<hbm>>
      tpu.wait_dma2 semaphore(%run_scoped3A : memref<!tpu.dma_semaphore, #tpu.memory_space<semaphore_mem>>) src(%arg9 : memref<160x128xf32, #tpu.memory_space<vmem>>) dst(%dma_wait3A_200 : memref<160x128xf32, #tpu.memory_space<hbm>>)
      tpu.yield
    }) : () -> ()
    %dma_start3A_160 = arith.constant 2400 : i32
    %dma_start3A_161 = tpu.memref_slice %arg5[%dma_start3A_160] : memref<2560xi32, #tpu.memory_space<vmem>> -> memref<160xi32, #tpu.memory_space<vmem>>
    %dma_start3A_162 = arith.constant 0 : i32
    %dma_start3A_163 = arith.constant 0 : i32
    %dma_start3A_164 = tpu.memref_slice %arg2[%dma_start3A_162, %dma_start3A_163] : memref<1000000x128xf32, #tpu.memory_space<hbm>> -> memref<1000000x128xf32, #tpu.memory_space<hbm>>
    tpu.enqueue_indirect_dma source(%dma_start3A_164 : memref<1000000x128xf32, #tpu.memory_space<hbm>>) target(%arg9 : memref<160x128xf32, #tpu.memory_space<vmem>>) offsets(%dma_start3A_161 : memref<160xi32, #tpu.memory_space<vmem>>) semaphore(%arg13 : memref<!tpu.dma_semaphore, #tpu.memory_space<semaphore_mem>>)
    %dma_wait3A_165 = arith.constant 1920 : i32
    %dma_wait3A_166 = tpu.memref_slice %arg5[%dma_wait3A_165] : memref<2560xi32, #tpu.memory_space<vmem>> -> memref<160xi32, #tpu.memory_space<vmem>>
    %dma_wait3A_167 = arith.constant 0 : i32
    %dma_wait3A_168 = arith.constant 0 : i32
    %dma_wait3A_169 = tpu.memref_slice %arg2[%dma_wait3A_167, %dma_wait3A_168] : memref<1000000x128xf32, #tpu.memory_space<hbm>> -> memref<1000000x128xf32, #tpu.memory_space<hbm>>
    tpu.wait_indirect_dma semaphore(%arg10 : memref<!tpu.dma_semaphore, #tpu.memory_space<semaphore_mem>>) src(%dma_wait3A_169 : memref<1000000x128xf32, #tpu.memory_space<hbm>>) dst(%arg6 : memref<160x128xf32, #tpu.memory_space<vmem>>)
    %add3A_170 = arith.constant 1920 : i32
    %add3A_171 = arith.addi %mul3A_2, %add3A_170 : i32
    "tpu.region"() ({
      %run_scoped3A = tpu.sem_alloc : memref<!tpu.dma_semaphore, #tpu.memory_space<semaphore_mem>>
      %dma_start3A_193 = arith.constant 0 : i32
      %dma_start3A_194 = tpu.memref_slice %arg4[%add3A_171, %dma_start3A_193] : memref<81920x128xf32, #tpu.memory_space<hbm>> -> memref<160x128xf32, #tpu.memory_space<hbm>>
      %dma_start3A_195 = arith.constant 0 : i32
      %dma_start3A_196 = tpu.memref_slice %arg4[%add3A_171, %dma_start3A_195] : memref<81920x128xf32, #tpu.memory_space<hbm>> -> memref<160x128xf32, #tpu.memory_space<hbm>>
      tpu.enqueue_dma source(%arg6 : memref<160x128xf32, #tpu.memory_space<vmem>>) target(%dma_start3A_196 : memref<160x128xf32, #tpu.memory_space<hbm>>) target_semaphore(%run_scoped3A : memref<!tpu.dma_semaphore, #tpu.memory_space<semaphore_mem>>)
      %dma_wait3A_197 = arith.constant 0 : i32
      %dma_wait3A_198 = tpu.memref_slice %arg4[%add3A_171, %dma_wait3A_197] : memref<81920x128xf32, #tpu.memory_space<hbm>> -> memref<160x128xf32, #tpu.memory_space<hbm>>
      %dma_wait3A_199 = arith.constant 0 : i32
      %dma_wait3A_200 = tpu.memref_slice %arg4[%add3A_171, %dma_wait3A_199] : memref<81920x128xf32, #tpu.memory_space<hbm>> -> memref<160x128xf32, #tpu.memory_space<hbm>>
      tpu.wait_dma2 semaphore(%run_scoped3A : memref<!tpu.dma_semaphore, #tpu.memory_space<semaphore_mem>>) src(%arg6 : memref<160x128xf32, #tpu.memory_space<vmem>>) dst(%dma_wait3A_200 : memref<160x128xf32, #tpu.memory_space<hbm>>)
      tpu.yield
    }) : () -> ()
    %dma_wait3A_172 = arith.constant 2080 : i32
    %dma_wait3A_173 = tpu.memref_slice %arg5[%dma_wait3A_172] : memref<2560xi32, #tpu.memory_space<vmem>> -> memref<160xi32, #tpu.memory_space<vmem>>
    %dma_wait3A_174 = arith.constant 0 : i32
    %dma_wait3A_175 = arith.constant 0 : i32
    %dma_wait3A_176 = tpu.memref_slice %arg2[%dma_wait3A_174, %dma_wait3A_175] : memref<1000000x128xf32, #tpu.memory_space<hbm>> -> memref<1000000x128xf32, #tpu.memory_space<hbm>>
    tpu.wait_indirect_dma semaphore(%arg11 : memref<!tpu.dma_semaphore, #tpu.memory_space<semaphore_mem>>) src(%dma_wait3A_176 : memref<1000000x128xf32, #tpu.memory_space<hbm>>) dst(%arg7 : memref<160x128xf32, #tpu.memory_space<vmem>>)
    %add3A_177 = arith.constant 2080 : i32
    %add3A_178 = arith.addi %mul3A_2, %add3A_177 : i32
    "tpu.region"() ({
      %run_scoped3A = tpu.sem_alloc : memref<!tpu.dma_semaphore, #tpu.memory_space<semaphore_mem>>
      %dma_start3A_193 = arith.constant 0 : i32
      %dma_start3A_194 = tpu.memref_slice %arg4[%add3A_178, %dma_start3A_193] : memref<81920x128xf32, #tpu.memory_space<hbm>> -> memref<160x128xf32, #tpu.memory_space<hbm>>
      %dma_start3A_195 = arith.constant 0 : i32
      %dma_start3A_196 = tpu.memref_slice %arg4[%add3A_178, %dma_start3A_195] : memref<81920x128xf32, #tpu.memory_space<hbm>> -> memref<160x128xf32, #tpu.memory_space<hbm>>
      tpu.enqueue_dma source(%arg7 : memref<160x128xf32, #tpu.memory_space<vmem>>) target(%dma_start3A_196 : memref<160x128xf32, #tpu.memory_space<hbm>>) target_semaphore(%run_scoped3A : memref<!tpu.dma_semaphore, #tpu.memory_space<semaphore_mem>>)
      %dma_wait3A_197 = arith.constant 0 : i32
      %dma_wait3A_198 = tpu.memref_slice %arg4[%add3A_178, %dma_wait3A_197] : memref<81920x128xf32, #tpu.memory_space<hbm>> -> memref<160x128xf32, #tpu.memory_space<hbm>>
      %dma_wait3A_199 = arith.constant 0 : i32
      %dma_wait3A_200 = tpu.memref_slice %arg4[%add3A_178, %dma_wait3A_199] : memref<81920x128xf32, #tpu.memory_space<hbm>> -> memref<160x128xf32, #tpu.memory_space<hbm>>
      tpu.wait_dma2 semaphore(%run_scoped3A : memref<!tpu.dma_semaphore, #tpu.memory_space<semaphore_mem>>) src(%arg7 : memref<160x128xf32, #tpu.memory_space<vmem>>) dst(%dma_wait3A_200 : memref<160x128xf32, #tpu.memory_space<hbm>>)
      tpu.yield
    }) : () -> ()
    %dma_wait3A_179 = arith.constant 2240 : i32
    %dma_wait3A_180 = tpu.memref_slice %arg5[%dma_wait3A_179] : memref<2560xi32, #tpu.memory_space<vmem>> -> memref<160xi32, #tpu.memory_space<vmem>>
    %dma_wait3A_181 = arith.constant 0 : i32
    %dma_wait3A_182 = arith.constant 0 : i32
    %dma_wait3A_183 = tpu.memref_slice %arg2[%dma_wait3A_181, %dma_wait3A_182] : memref<1000000x128xf32, #tpu.memory_space<hbm>> -> memref<1000000x128xf32, #tpu.memory_space<hbm>>
    tpu.wait_indirect_dma semaphore(%arg12 : memref<!tpu.dma_semaphore, #tpu.memory_space<semaphore_mem>>) src(%dma_wait3A_183 : memref<1000000x128xf32, #tpu.memory_space<hbm>>) dst(%arg8 : memref<160x128xf32, #tpu.memory_space<vmem>>)
    %add3A_184 = arith.constant 2240 : i32
    %add3A_185 = arith.addi %mul3A_2, %add3A_184 : i32
    "tpu.region"() ({
      %run_scoped3A = tpu.sem_alloc : memref<!tpu.dma_semaphore, #tpu.memory_space<semaphore_mem>>
      %dma_start3A_193 = arith.constant 0 : i32
      %dma_start3A_194 = tpu.memref_slice %arg4[%add3A_185, %dma_start3A_193] : memref<81920x128xf32, #tpu.memory_space<hbm>> -> memref<160x128xf32, #tpu.memory_space<hbm>>
      %dma_start3A_195 = arith.constant 0 : i32
      %dma_start3A_196 = tpu.memref_slice %arg4[%add3A_185, %dma_start3A_195] : memref<81920x128xf32, #tpu.memory_space<hbm>> -> memref<160x128xf32, #tpu.memory_space<hbm>>
      tpu.enqueue_dma source(%arg8 : memref<160x128xf32, #tpu.memory_space<vmem>>) target(%dma_start3A_196 : memref<160x128xf32, #tpu.memory_space<hbm>>) target_semaphore(%run_scoped3A : memref<!tpu.dma_semaphore, #tpu.memory_space<semaphore_mem>>)
      %dma_wait3A_197 = arith.constant 0 : i32
      %dma_wait3A_198 = tpu.memref_slice %arg4[%add3A_185, %dma_wait3A_197] : memref<81920x128xf32, #tpu.memory_space<hbm>> -> memref<160x128xf32, #tpu.memory_space<hbm>>
      %dma_wait3A_199 = arith.constant 0 : i32
      %dma_wait3A_200 = tpu.memref_slice %arg4[%add3A_185, %dma_wait3A_199] : memref<81920x128xf32, #tpu.memory_space<hbm>> -> memref<160x128xf32, #tpu.memory_space<hbm>>
      tpu.wait_dma2 semaphore(%run_scoped3A : memref<!tpu.dma_semaphore, #tpu.memory_space<semaphore_mem>>) src(%arg8 : memref<160x128xf32, #tpu.memory_space<vmem>>) dst(%dma_wait3A_200 : memref<160x128xf32, #tpu.memory_space<hbm>>)
      tpu.yield
    }) : () -> ()
    %dma_wait3A_186 = arith.constant 2400 : i32
    %dma_wait3A_187 = tpu.memref_slice %arg5[%dma_wait3A_186] : memref<2560xi32, #tpu.memory_space<vmem>> -> memref<160xi32, #tpu.memory_space<vmem>>
    %dma_wait3A_188 = arith.constant 0 : i32
    %dma_wait3A_189 = arith.constant 0 : i32
    %dma_wait3A_190 = tpu.memref_slice %arg2[%dma_wait3A_188, %dma_wait3A_189] : memref<1000000x128xf32, #tpu.memory_space<hbm>> -> memref<1000000x128xf32, #tpu.memory_space<hbm>>
    tpu.wait_indirect_dma semaphore(%arg13 : memref<!tpu.dma_semaphore, #tpu.memory_space<semaphore_mem>>) src(%dma_wait3A_190 : memref<1000000x128xf32, #tpu.memory_space<hbm>>) dst(%arg9 : memref<160x128xf32, #tpu.memory_space<vmem>>)
    %add3A_191 = arith.constant 2400 : i32
    %add3A_192 = arith.addi %mul3A_2, %add3A_191 : i32
    "tpu.region"() ({
      %run_scoped3A = tpu.sem_alloc : memref<!tpu.dma_semaphore, #tpu.memory_space<semaphore_mem>>
      %dma_start3A_193 = arith.constant 0 : i32
      %dma_start3A_194 = tpu.memref_slice %arg4[%add3A_192, %dma_start3A_193] : memref<81920x128xf32, #tpu.memory_space<hbm>> -> memref<160x128xf32, #tpu.memory_space<hbm>>
      %dma_start3A_195 = arith.constant 0 : i32
      %dma_start3A_196 = tpu.memref_slice %arg4[%add3A_192, %dma_start3A_195] : memref<81920x128xf32, #tpu.memory_space<hbm>> -> memref<160x128xf32, #tpu.memory_space<hbm>>
      tpu.enqueue_dma source(%arg9 : memref<160x128xf32, #tpu.memory_space<vmem>>) target(%dma_start3A_196 : memref<160x128xf32, #tpu.memory_space<hbm>>) target_semaphore(%run_scoped3A : memref<!tpu.dma_semaphore, #tpu.memory_space<semaphore_mem>>)
      %dma_wait3A_197 = arith.constant 0 : i32
      %dma_wait3A_198 = tpu.memref_slice %arg4[%add3A_192, %dma_wait3A_197] : memref<81920x128xf32, #tpu.memory_space<hbm>> -> memref<160x128xf32, #tpu.memory_space<hbm>>
      %dma_wait3A_199 = arith.constant 0 : i32
      %dma_wait3A_200 = tpu.memref_slice %arg4[%add3A_192, %dma_wait3A_199] : memref<81920x128xf32, #tpu.memory_space<hbm>> -> memref<160x128xf32, #tpu.memory_space<hbm>>
      tpu.wait_dma2 semaphore(%run_scoped3A : memref<!tpu.dma_semaphore, #tpu.memory_space<semaphore_mem>>) src(%arg9 : memref<160x128xf32, #tpu.memory_space<vmem>>) dst(%dma_wait3A_200 : memref<160x128xf32, #tpu.memory_space<hbm>>)
      tpu.yield
    }) : () -> ()
    return
  }
}

</mosaic_0001>

<sc_bundles>
// kernel: _sc_gather.3.cloned.1.call-start
scs
__scs_entry_jumppad:
0x0: {  	(pc) =	sbr.rel $0x88, $3  }
0x1: {  	(tag) =	ssettag $0x0;
	lr =	simm.s32 $0x1  }
0x2: {  	[smem:$0x3F9F] =	sst lr;
	_ =	strace $0xD0000000  }
0x3: {  	_ = 	snop  }
0x4: {  	_ = 	snop  }
0x5: {  	_ = 	snop  }
0x6: {  	_ = 	snop  }
0x7: {  	_ = 	snop  }
__scs_overlays_trampoline_lowered:
0x8: {  	[smem:$0x3FAE] =	sst s0  }
0x9: {  	[smem:$0x3FAF] =	sst s1  }
0xa: {  	[smem:$0x3FB0] =	sst s2  }
0xb: {  	[smem:$0x3FB1] =	sst s3  }
0xc: {  	[smem:$0x3FB2] =	sst s4  }
0xd: {  	[smem:$0x3FB3] =	sst s5  }
0xe: {  	[smem:$0x3FB4] =	sst s6  }
0xf: {  	[smem:$0x3FB5] =	sst s7  }
0x10: {  	[smem:$0x3FB6] =	sst s8  }
0x11: {  	[smem:$0x3FB7] =	sst s9;
	s0 =	simm.s32 @!p0 $0x0  }
0x12: {  	s1 =	sld [smem:$0x3F9D];
	s0 =	simm.s32 @p0 $0x1  }
0x13: {  	[smem:$0x3FB8] =	sst s0;
	s0 =	simm.s32 @!p1 $0x0  }
0x14: {  	s2 =	sld [smem:$0x3F9C];
	s0 =	simm.s32 @p1 $0x1  }
0x15: {  	[smem:$0x3FB9] =	sst s0;
	s0 =	simm.s32 @!p2 $0x0  }
0x16: {  	s3 =	sld [smem:$0x3FDB];
	s0 =	simm.s32 @p2 $0x1  }
0x17: {  	s4 =	simm.s32 $0x1BF5;
	[smem:$0x3FBB] =	sst s0  }
0x18: {  	s0 =	sld [smem:$0x3F9E];
	_ =	swait.ge [sflag:s4], $0x0  }
0x19: {  	s7 =	sld [smem:$0x3F9F]  }
0x1a: {  	s8 =	sadd.s32 $0xFFFFE003, lr  }
0x1b: {  	s9 =	sadd.s32 $0xFFFFFEF7, lr;
	s5 =	simm.s32 $0xFFFFFFFF;
	p2 =	slt.u32 s8, $0xFFFFF086  }
0x1c: {  	p1 =	slt.u32 s9, $0xF7A;
	s5 =	simm.s32 @!p2 $0x0  }
0x1d: {  	s5 =	simm.s32 @p1 $0x1;
	p0 =	seq.s32 s7, s2  }
0x1e: {  	s7 =	smul.u32 @!p0 $0xF7A, s2;
	p2 =	seq.s32 @!p0 s5, $0x0  }
0x1f: {  	s9 =	smul.u32 $0xF7A, s1;
	s8 =	simm.s32 @!p0 $0x1BF5;
	p2 =	por !p2, p0  }
0x20: {  	[sflag:s8] =	ssyncset.s32 @!p0 $0xFFFFF086;
	s6 =	sadd.s32 @!p0 s3, s7;
	s7 =	simm.s32 @!p0 $0x108  }
0x21: {  	s3 =	sadd.s32 s3, s9;
	s6 =	sadd.s32 @!p0 $0x88, s6;
	s7 =	simm.s32 @p2 $0x1082  }
0x22: {  	[simem:s7], [sflag:s8] =	dma.local @!p0 [hbm:s6], $0xF7A  }
0x23: {  	s9 =	sor.u32 $0xD0000000, s2;
	s6 =	simm.s32 $0x108;
	_ =	swait.ge @!p0 [sflag:s8], $0x0  }
0x24: {  	s3 =	sadd.s32 $0x88, s3;
	s6 =	simm.s32 @!p1 $0x1082;
	[sflag:s4] =	ssyncset.s32 $0xFFFFF086  }
0x25: {  	[simem:s6], [sflag:s4] =	dma.local [hbm:s3], $0xF7A  }
0x26: {  	[smem:$0x3F9F] =	sst s1;
	(tag) =	ssettag s2;
	_ =	strace s9  }
0x27: {  	s1 =	sld [smem:$0x3FAF]  }
0x28: {  	s2 =	sld [smem:$0x3FB0]  }
0x29: {  	s4 =	sld [smem:$0x3FB2]  }
0x2a: {  	p0 =	seq.s32 s5, $0x0;
	s5 =	sld [smem:$0x3FB3]  }
0x2b: {  	s6 =	sld [smem:$0x3FB4]  }
0x2c: {  	s7 =	sld [smem:$0x3FB5]  }
0x2d: {  	s3 =	simm.s32 $0x108;
	s8 =	sld [smem:$0x3FB6]  }
0x2e: {  	s3 =	simm.s32 @!p0 $0x1082;
	s9 =	sld [smem:$0x3FB7]  }
0x2f: {  	lr =	sadd.s32 s0, s3;
	s0 =	sld [smem:$0x3FAE]  }
0x30: {  	s3 =	sld [smem:$0x3FB1]  }
0x31: {  	[smem:$0x3FBA] =	sst s10  }
0x32: {  	s10 =	sld [smem:$0x3FB8];
	_ =	sdelay $0x3  }
0x33: {  	p0 =	seq.s32 s10, $0x1;
	s10 =	sld [smem:$0x3FBA];
	_ =	sdelay $0x3  }
0x34: {  	[smem:$0x3FBA] =	sst s10  }
0x35: {  	s10 =	sld [smem:$0x3FB9];
	_ =	sdelay $0x3  }
0x36: {  	p1 =	seq.s32 s10, $0x1;
	s10 =	sld [smem:$0x3FBA];
	_ =	sdelay $0x3  }
0x37: {  	[smem:$0x3FBA] =	sst s10  }
0x38: {  	s10 =	sld [smem:$0x3FBB]  }
0x39: {  	_ = 	snop;
	(pc) =	sbr.ind lr, $3  }
0x3a: {  	_ = 	snop  }
0x3b: {  	_ = 	snop  }
0x3c: {  	p2 =	seq.s32 s10, $0x1;
	s10 =	sld [smem:$0x3FBA]  }
0x3d: {  	_ =	shalt  }
0x3e: {  	_ =	shalt  }
0x3f: {  	_ =	shalt  }
0x40: {  	_ =	shalt  }
0x41: {  	_ =	shalt  }
0x42: {  	_ =	shalt  }
0x43: {  	_ =	shalt  }
0x44: {  	_ =	shalt  }
0x45: {  	_ =	shalt  }
0x46: {  	_ =	shalt  }
0x47: {  	_ =	shalt  }
0x48: {  	_ =	shalt  }
0x49: {  	_ =	shalt  }
0x4a: {  	_ =	shalt  }
0x4b: {  	_ =	shalt  }
0x4c: {  	_ =	shalt  }
0x4d: {  	_ =	shalt  }
0x4e: {  	_ =	shalt  }
0x4f: {  	_ =	shalt  }
0x50: {  	_ =	shalt  }
0x51: {  	_ =	shalt  }
0x52: {  	_ =	shalt  }
0x53: {  	_ =	shalt  }
0x54: {  	_ =	shalt  }
0x55: {  	_ =	shalt  }
0x56: {  	_ =	shalt  }
0x57: {  	_ =	shalt  }
0x58: {  	_ =	shalt  }
0x59: {  	_ =	shalt  }
0x5a: {  	_ =	shalt  }
0x5b: {  	_ =	shalt  }
0x5c: {  	_ =	shalt  }
0x5d: {  	_ =	shalt  }
0x5e: {  	_ =	shalt  }
0x5f: {  	_ =	shalt  }
0x60: {  	_ =	shalt  }
0x61: {  	_ =	shalt  }
0x62: {  	_ =	shalt  }
0x63: {  	_ =	shalt  }
0x64: {  	_ =	shalt  }
0x65: {  	_ =	shalt  }
0x66: {  	_ =	shalt  }
0x67: {  	_ =	shalt  }
0x68: {  	_ =	shalt  }
0x69: {  	_ =	shalt  }
0x6a: {  	_ =	shalt  }
0x6b: {  	_ =	shalt  }
0x6c: {  	_ =	shalt  }
0x6d: {  	_ =	shalt  }
0x6e: {  	_ =	shalt  }
0x6f: {  	_ =	shalt  }
0x70: {  	_ =	shalt  }
0x71: {  	_ =	shalt  }
0x72: {  	_ =	shalt  }
0x73: {  	_ =	shalt  }
0x74: {  	_ =	shalt  }
0x75: {  	_ =	shalt  }
0x76: {  	_ =	shalt  }
0x77: {  	_ =	shalt  }
0x78: {  	_ =	shalt  }
0x79: {  	_ =	shalt  }
0x7a: {  	_ =	shalt  }
0x7b: {  	_ =	shalt  }
0x7c: {  	_ =	shalt  }
0x7d: {  	_ =	shalt  }
0x7e: {  	_ =	shalt  }
0x7f: {  	_ =	shalt  }
0x80: {  	_ =	shalt  }
0x81: {  	_ =	shalt  }
0x82: {  	_ =	shalt  }
0x83: {  	_ =	shalt  }
0x84: {  	_ =	shalt  }
0x85: {  	_ =	shalt  }
0x86: {  	_ =	shalt  }
0x87: {  	_ =	shalt  }
.Lfunc_end0:
.L_simem_size_0:
called_computation_lowered:
.L_overlay_start_0:
0x88: {  	s2 =	sld [smem:$0x3FD9]  }
0x89: {  	s3 =	sld [smem:$0x3FFE];
	_ =	sdelay $0x1  }
0x8a: {  	s1 =	srdreg.scid  }
0x8b: {  	s0 =	sand.u32 $0x1, s1  }
0x8c: {  	s18 =	sshll.u32 s0, $0xA;
	s2 =	sadd.s32 s3, s2  }
0x8d: {  	s2 =	sadd.s32 s2, s18  }
0x8e: {  	[smem:$0x3FC6] =	sst s2  }
0x8f: {  	_ = 	snop  }
0x90: {  	s2 =	sld [smem:$0x3FC9]  }
0x91: {  	s19 =	sld [smem:$0x3FC8]  }
0x92: {  	s4 =	sld [smem:$0x3FD0];
	(tm) =	ssettm $0x1  }
0x93: {  	s5 =	sld [smem:$0x3FFB];
	_ =	sdelay $0x3  }
0x94: {  	_ =	strace s5  }
0x95: {  	s5 =	sld [smem:$0x3FFC];
	_ =	sdelay $0x3  }
0x96: {  	_ =	strace s5  }
0x97: {  	s5 =	sld [smem:$0x3FFD];
	_ =	sdelay $0x3  }
0x98: {  	_ =	strace s5  }
0x99: {  	_ =	strace $0x8FFFFFFF  }
0x9a: {  	s20 =	sld [smem:$0x3FDB];
	_ =	sdelay $0x1  }
0x9b: {  	s6 =	simm.s32 $_scs_section_size  }
0x9c: {  	s7 =	simm.s32 $_size__tile_overlayer_lowered;
	s8 =	simm.s32 $_tile_overlayer_lowered  }
0x9d: {  	s23 =	simm.s32 $0x1BFF;
	s22 =	sshll.u32 s8, $0x1;
	s5 =	sadd.s32 s6, s20  }
0x9e: {  	s9 =	simm.s32 $0x0;
	s21 =	sshll.u32 s7, $0x1;
	s7 =	sadd.s32 s22, s5  }
0x9f: {  	[timem:s9], [sflag:s23] =	dma.local [hbm:s7], s21  }
0xa0: {  	_ =	swait.ge [sflag:s23], s21  }
0xa1: {  	s6 =	ssub.s32 $0x0, s21;
	[sflag:s23] =	ssyncset.done $0x0  }
0xa2: {  	[sflag:s23] =	ssyncadd.s32 s6;
	_ =	sdelay $0x1  }
0xa3: {  	s24 =	simm.s32 $0x1B8B  }
0xa4: {  	_ =	swait.ge [sflag:s24], $0x1  }
0xa5: {  	[sflag:s24] =	ssyncset.done $0x0  }
0xa6: {  	s25 =	simm.s32 $0x1B8E;
	[sflag:s24] =	ssyncadd.s32 $0xFFFFFFFF  }
0xa7: {  	s26 =	simm.s32 $execute0_lowered;
	[smem:$0x3FD2] =	sst s25  }
0xa8: {  	s6 =	sshll.u32 s26, $0x1;
	_ =	strace $0x80000046;
	[dreg:$0x1] =	wrdreg $0xFFFFFFFF  }
0xa9: {  	s28 =	simm.s32 $_size_execute0_lowered;
	s5 =	sadd.s32 s5, s6;
	[dreg:$0x0] =	wrdreg $0x0  }
0xaa: {  	s6 =	sshll.u32 s28, $0x1;
	[dreg:$0x2] =	wrdreg s5  }
0xab: {  	[dreg:$0x3] =	wrdreg s6  }
0xac: {  	[dreg:$0x4] =	wrdreg $0xC0  }
0xad: {  	_ =	task [dreg:s9], $0x5FFFF  }
0xae: {  	[dreg:$0x1] =	wrdreg $0xFFFFFFFF  }
0xaf: {  	[dreg:$0x0] =	wrdreg $0x60  }
0xb0: {  	[dreg:$0x2] =	wrdreg s2  }
0xb1: {  	[dreg:$0x3] =	wrdreg s19  }
0xb2: {  	[dreg:$0x4] =	wrdreg s4  }
0xb3: {  	[dreg:$0x5] =	wrdreg $0x9  }
0xb4: {  	_ =	task.clear_ibuf [dreg:s9], $0x6FFFF;
	_ =	strace $0x90000046  }
0xb5: {  	s29 =	simm.s32 $0x9;
	_ =	strace $0x80000048  }
0xb6: {  	_ =	swait.ge [sflag:s29], $0x1  }
0xb7: {  	[sflag:s29] =	ssyncadd.s32 $0xFFFFFFFF  }
0xb8: {  	_ =	strace $0x90000048  }
0xb9: {  	_ =	sfence  }
0xba: {  	s30 =	sld [smem:$0x0];
	_ =	sdelay $0x2  }
0xbb: {  	s31 =	sshll.u32 s1, $0xD;
	s1 =	sshrl.u32 s1, $0x2  }
0xbc: {  	s3 =	sand.u32 $0x4000, s31;
	s1 =	sadd.s32 s1, s30  }
0xbd: {  	s0 =	sor.u32 s3, s0;
	s1 =	sshll.u32 s1, $0x11  }
0xbe: {  	s0 =	sor.u32 s1, s0  }
0xbf: {  	s0 =	sadd.s32 $0x8F2B, s0  }
0xc0: {  	[sflag:s0] =	ssyncadd.remote.s32 $0x1  }
0xc1: {  	_ =	sfence.sel $0xFFFF  }
0xc2: {  	[dreg:$0x0] =	wrdreg $0xFFFFFFFF;
	(pc) =	sbr.abs _section_cstart, $3  }
0xc3: {  	[dreg:$0x1] =	wrdreg $0xFFFFFFFF  }
0xc4: {  	_ =	task.clear_ibuf [dreg:s9], $0x2FFFF;
	_ =	strace $0x9FFFFFFF  }
0xc5: {  	(tm) =	ssettm $0x7FFFFFFF  }
tec
execute0_lowered:
.L_overlay_start_1:
0x0: {  	(tag) =	ssettag $0x1  }
0x1: {  	s3 =	rddreg [dreg:$0x0]  }
0x2: {  	s0 =	srdreg.scid;
	s1 =	rddreg [dreg:$0x1]  }
0x3: {  	s2 =	stileid.u32;
	s4 =	rddreg [dreg:$0x2]  }
0x4: {  	s10 =	simm.s32 $0x5A00;
	s30 =	simm.s32 $0x140;
	s8 =	simm.s32 $0xAA00  }
0x5: {  	s31 =	simm.s32 $0x1E0;
	s0 =	sand.u32 $0x1, s0;
	s2 =	sshll.u32 s2, $0x1  }
0x6: {  	s29 =	simm.s32 $0x280;
	s28 =	simm.s32 $0x320;
	s5 =	sor.u32 s0, s2  }
0x7: {  	s11 =	simm.s32 $0x3;
	s9 =	simm.s32 $0x4;
	s6 =	smul.u32 $0x140, s5  }
0x8: {  	s2 =	simm.s32 $0x0;
	s0 =	ssub.s32 $0x2, s0;
	s7 =	smul.u32 $0xA000, s5  }
0x9: {  	[smem:$0x7FF] =	sst s2;
	s5 =	smul.u32 $0x50000, s5;
	s25 =	sshrl.u32 s0, $0x1  }
0xa: {  	_ =	strace $0x80000047;
	s1 =	sadd.s32 s1, s6;
	s21 =	sadd.s32 s4, s7  }
0xb: {  	s0 =	ssub.s32 s0, s25;
	[dreg:$0x4] =	wrdreg s1;
	s12 =	sadd.s32 $0xA00, s21  }
0xc: {  	s5 =	sshrl.u32 s5, $0x3;
	s13 =	sadd.s32 $0x1400, s21;
	[dreg:$0x5] =	wrdreg s12  }
0xd: {  	s0 =	smax.u32 s0, $0x1;
	s14 =	sadd.s32 $0x1E00, s21;
	[dreg:$0x6] =	wrdreg s13  }
0xe: {  	s4 =	sadd.s32 s4, s5;
	p1 =	sne.s32 s0, $0x1;
	[dreg:$0x7] =	wrdreg s14  }
0xf: {  	s1 =	sadd.s32 $0xFFFFFFFF, s0;
	s15 =	sadd.s32 $0x2800, s4;
	s0 =	rddreg [dreg:$0x4]  }
0x10: {  	p0 =	por $0x0, $0x0;
	s16 =	sadd.s32 $0x3200, s4;
	[dreg:$0x8] =	wrdreg s15  }
0x11: {  	s25 =	simm.s32 $0x460;
	s17 =	sadd.s32 $0x3C00, s4;
	[dreg:$0x9] =	wrdreg s16  }
0x12: {  	s7 =	simm.s32 $0xFA00;
	s18 =	sadd.s32 $0x4600, s4;
	[dreg:$0xa] =	wrdreg s17  }
0x13: {  	s19 =	sadd.s32 $0x5000, s4;
	s20 =	sadd.s32 $0x5A00, s4;
	[dreg:$0xb] =	wrdreg s18  }
0x14: {  	s22 =	sadd.s32 $0x6400, s4;
	s23 =	sadd.s32 $0x6E00, s4;
	[dreg:$0xc] =	wrdreg s19  }
0x15: {  	s24 =	sadd.s32 $0x7800, s4;
	s26 =	sadd.s32 $0x8200, s4;
	[dreg:$0xd] =	wrdreg s20  }
0x16: {  	s6 =	sadd.s32 $0x8C00, s4;
	s5 =	sadd.s32 $0x9600, s4;
	[dreg:$0xe] =	wrdreg s22  }
0x17: {  	s4 =	simm.s32 $0x5;
	s14 =	simm.s32 $0xA0;
	[dreg:$0xf] =	wrdreg s23  }
.Ltmp0:
0x18: {  	s12 =	simm.s32 $0xA00;
	[dreg:$0x10] =	wrdreg s24;
	(pc) =	sbr.rel @!p1 .LBB2_3-.Ltmp0, $4  }
0x19: {  	s13 =	simm.s32 $0x2;
	[dreg:$0x11] =	wrdreg s26;
	s15 =	simm.s32 $0x1  }
0x1a: {  	s26 =	simm.s32 $0x3C0;
	s24 =	simm.s32 $0x500;
	s23 =	simm.s32 $0x5A0  }
0x1b: {  	s22 =	simm.s32 $0x640;
	s20 =	simm.s32 $0x6E0;
	s19 =	simm.s32 $0x780  }
0x1c: {  	s18 =	simm.s32 $0x820;
	s17 =	simm.s32 $0x8C0;
	s16 =	simm.s32 $0x960  }
0x1d: {  	[tilespmem:s2], [sflag:$0x5] =	stream.linear.gather [hbm4b:s0+s2], $0xA00, $0x38;
	[tilespmem:$0x14A00] =	vst v63  }
0x1e: {  	_ =	swait.ge [sflag:s4], $0xA00  }
0x1f: {  	[sflag:s4] =	ssyncset.done $0x0  }
0x20: {  	[sflag:s4] =	ssyncadd.s32 $0xFFFFF600  }
0x21: {  	[tilespmem:s12], [sflag:$0x1] =	stream.indirect.gather [hbm4b:s3+s14], $0x80, s2, s14, $0xb8;
	[tilespmem:$0x14A00] =	vst v63  }
0x22: {  	_ = 	snop  }
0x23: {  	[tilespmem:s10], [sflag:$0x2] =	stream.indirect.gather [hbm4b:s3+s14], $0x80, s14, s14, $0xb8;
	[tilespmem:$0x14A00] =	vst v63  }
0x24: {  	_ = 	snop  }
0x25: {  	[tilespmem:s8], [sflag:$0x3] =	stream.indirect.gather [hbm4b:s3+s14], $0x80, s30, s14, $0xb8;
	[tilespmem:$0x14A00] =	vst v63  }
0x26: {  	_ = 	snop  }
0x27: {  	[tilespmem:s7], [sflag:$0x4] =	stream.indirect.gather [hbm4b:s3+s14], $0x80, s31, s14, $0xb8;
	[tilespmem:$0x14A00] =	vst v63  }
0x28: {  	_ =	swait.ge [sflag:s15], $0x5000  }
0x29: {  	[sflag:s15] =	ssyncset.done $0x0  }
0x2a: {  	[sflag:s15] =	ssyncadd.s32 $0xFFFFB000  }
0x2b: {  	[hbm4b:s21+s2] =	stream.linear.scatter [tilespmem:s12], [sflag:$0x5], $0x5000, $0x38;
	[tilespmem:$0x14A00] =	vst v63  }
0x2c: {  	_ =	swait.ge [sflag:s4], $0x5000  }
0x2d: {  	[sflag:s4] =	ssyncset.done $0x0  }
0x2e: {  	[sflag:s4] =	ssyncadd.s32 $0xFFFFB000  }
0x2f: {  	[tilespmem:s12], [sflag:$0x1] =	stream.indirect.gather [hbm4b:s3+s14], $0x80, s29, s14, $0xb8;
	[tilespmem:$0x14A00] =	vst v63  }
0x30: {  	_ =	swait.ge [sflag:s13], $0x5000  }
0x31: {  	[sflag:s13] =	ssyncset.done $0x0  }
0x32: {  	s0 =	rddreg [dreg:$0x5];
	[sflag:s13] =	ssyncadd.s32 $0xFFFFB000  }
0x33: {  	[hbm4b:s0+s2] =	stream.linear.scatter [tilespmem:s10], [sflag:$0x5], $0x5000, $0x38;
	[tilespmem:$0x14A00] =	vst v63  }
0x34: {  	_ =	swait.ge [sflag:s4], $0x5000  }
0x35: {  	[sflag:s4] =	ssyncset.done $0x0  }
0x36: {  	[sflag:s4] =	ssyncadd.s32 $0xFFFFB000  }
0x37: {  	[tilespmem:s10], [sflag:$0x2] =	stream.indirect.gather [hbm4b:s3+s14], $0x80, s28, s14, $0xb8;
	[tilespmem:$0x14A00] =	vst v63  }
0x38: {  	_ =	swait.ge [sflag:s11], $0x5000  }
0x39: {  	[sflag:s11] =	ssyncset.done $0x0  }
0x3a: {  	s0 =	rddreg [dreg:$0x6];
	[sflag:s11] =	ssyncadd.s32 $0xFFFFB000  }
0x3b: {  	[hbm4b:s0+s2] =	stream.linear.scatter [tilespmem:s8], [sflag:$0x5], $0x5000, $0x38;
	[tilespmem:$0x14A00] =	vst v63  }
0x3c: {  	_ =	swait.ge [sflag:s4], $0x5000  }
0x3d: {  	[sflag:s4] =	ssyncset.done $0x0  }
0x3e: {  	[sflag:s4] =	ssyncadd.s32 $0xFFFFB000  }
0x3f: {  	[tilespmem:s8], [sflag:$0x3] =	stream.indirect.gather [hbm4b:s3+s14], $0x80, s26, s14, $0xb8;
	[tilespmem:$0x14A00] =	vst v63  }
0x40: {  	_ =	swait.ge [sflag:s9], $0x5000  }
0x41: {  	[sflag:s9] =	ssyncset.done $0x0  }
0x42: {  	s0 =	rddreg [dreg:$0x7];
	[sflag:s9] =	ssyncadd.s32 $0xFFFFB000  }
0x43: {  	[hbm4b:s0+s2] =	stream.linear.scatter [tilespmem:s7], [sflag:$0x5], $0x5000, $0x38;
	[tilespmem:$0x14A00] =	vst v63  }
0x44: {  	_ =	swait.ge [sflag:s4], $0x5000  }
0x45: {  	[sflag:s4] =	ssyncset.done $0x0  }
0x46: {  	[sflag:s4] =	ssyncadd.s32 $0xFFFFB000  }
0x47: {  	[tilespmem:s7], [sflag:$0x4] =	stream.indirect.gather [hbm4b:s3+s14], $0x80, s25, s14, $0xb8;
	[tilespmem:$0x14A00] =	vst v63  }
0x48: {  	_ =	swait.ge [sflag:s15], $0x5000  }
0x49: {  	[sflag:s15] =	ssyncset.done $0x0  }
0x4a: {  	s0 =	rddreg [dreg:$0x8];
	[sflag:s15] =	ssyncadd.s32 $0xFFFFB000  }
0x4b: {  	[hbm4b:s0+s2] =	stream.linear.scatter [tilespmem:s12], [sflag:$0x5], $0x5000, $0x38;
	[tilespmem:$0x14A00] =	vst v63  }
0x4c: {  	_ =	swait.ge [sflag:s4], $0x5000  }
0x4d: {  	[sflag:s4] =	ssyncset.done $0x0  }
0x4e: {  	[sflag:s4] =	ssyncadd.s32 $0xFFFFB000  }
0x4f: {  	[tilespmem:s12], [sflag:$0x1] =	stream.indirect.gather [hbm4b:s3+s14], $0x80, s24, s14, $0xb8;
	[tilespmem:$0x14A00] =	vst v63  }
0x50: {  	_ =	swait.ge [sflag:s13], $0x5000  }
0x51: {  	[sflag:s13] =	ssyncset.done $0x0  }
0x52: {  	s0 =	rddreg [dreg:$0x9];
	[sflag:s13] =	ssyncadd.s32 $0xFFFFB000  }
0x53: {  	[hbm4b:s0+s2] =	stream.linear.scatter [tilespmem:s10], [sflag:$0x5], $0x5000, $0x38;
	[tilespmem:$0x14A00] =	vst v63  }
0x54: {  	_ =	swait.ge [sflag:s4], $0x5000  }
0x55: {  	[sflag:s4] =	ssyncset.done $0x0  }
0x56: {  	[sflag:s4] =	ssyncadd.s32 $0xFFFFB000  }
0x57: {  	[tilespmem:s10], [sflag:$0x2] =	stream.indirect.gather [hbm4b:s3+s14], $0x80, s23, s14, $0xb8;
	[tilespmem:$0x14A00] =	vst v63  }
0x58: {  	_ =	swait.ge [sflag:s11], $0x5000  }
0x59: {  	[sflag:s11] =	ssyncset.done $0x0  }
0x5a: {  	s0 =	rddreg [dreg:$0xa];
	[sflag:s11] =	ssyncadd.s32 $0xFFFFB000  }
0x5b: {  	[hbm4b:s0+s2] =	stream.linear.scatter [tilespmem:s8], [sflag:$0x5], $0x5000, $0x38;
	[tilespmem:$0x14A00] =	vst v63  }
0x5c: {  	_ =	swait.ge [sflag:s4], $0x5000  }
0x5d: {  	[sflag:s4] =	ssyncset.done $0x0  }
0x5e: {  	[sflag:s4] =	ssyncadd.s32 $0xFFFFB000  }
0x5f: {  	[tilespmem:s8], [sflag:$0x3] =	stream.indirect.gather [hbm4b:s3+s14], $0x80, s22, s14, $0xb8;
	[tilespmem:$0x14A00] =	vst v63  }
0x60: {  	_ =	swait.ge [sflag:s9], $0x5000  }
0x61: {  	[sflag:s9] =	ssyncset.done $0x0  }
0x62: {  	s0 =	rddreg [dreg:$0xb];
	[sflag:s9] =	ssyncadd.s32 $0xFFFFB000  }
0x63: {  	[hbm4b:s0+s2] =	stream.linear.scatter [tilespmem:s7], [sflag:$0x5], $0x5000, $0x38;
	[tilespmem:$0x14A00] =	vst v63  }
0x64: {  	_ =	swait.ge [sflag:s4], $0x5000  }
0x65: {  	[sflag:s4] =	ssyncset.done $0x0  }
0x66: {  	[sflag:s4] =	ssyncadd.s32 $0xFFFFB000  }
0x67: {  	[tilespmem:s7], [sflag:$0x4] =	stream.indirect.gather [hbm4b:s3+s14], $0x80, s20, s14, $0xb8;
	[tilespmem:$0x14A00] =	vst v63  }
0x68: {  	_ =	swait.ge [sflag:s15], $0x5000  }
0x69: {  	[sflag:s15] =	ssyncset.done $0x0  }
0x6a: {  	s0 =	rddreg [dreg:$0xc];
	[sflag:s15] =	ssyncadd.s32 $0xFFFFB000  }
0x6b: {  	[hbm4b:s0+s2] =	stream.linear.scatter [tilespmem:s12], [sflag:$0x5], $0x5000, $0x38;
	[tilespmem:$0x14A00] =	vst v63  }
0x6c: {  	_ =	swait.ge [sflag:s4], $0x5000  }
0x6d: {  	[sflag:s4] =	ssyncset.done $0x0  }
0x6e: {  	[sflag:s4] =	ssyncadd.s32 $0xFFFFB000  }
0x6f: {  	[tilespmem:s12], [sflag:$0x1] =	stream.indirect.gather [hbm4b:s3+s14], $0x80, s19, s14, $0xb8;
	[tilespmem:$0x14A00] =	vst v63  }
0x70: {  	_ =	swait.ge [sflag:s13], $0x5000  }
0x71: {  	[sflag:s13] =	ssyncset.done $0x0  }
0x72: {  	s0 =	rddreg [dreg:$0xd];
	[sflag:s13] =	ssyncadd.s32 $0xFFFFB000  }
0x73: {  	[hbm4b:s0+s2] =	stream.linear.scatter [tilespmem:s10], [sflag:$0x5], $0x5000, $0x38;
	[tilespmem:$0x14A00] =	vst v63  }
0x74: {  	_ =	swait.ge [sflag:s4], $0x5000  }
0x75: {  	[sflag:s4] =	ssyncset.done $0x0  }
0x76: {  	[sflag:s4] =	ssyncadd.s32 $0xFFFFB000  }
0x77: {  	[tilespmem:s10], [sflag:$0x2] =	stream.indirect.gather [hbm4b:s3+s14], $0x80, s18, s14, $0xb8;
	[tilespmem:$0x14A00] =	vst v63  }
0x78: {  	_ =	swait.ge [sflag:s11], $0x5000  }
0x79: {  	[sflag:s11] =	ssyncset.done $0x0  }
0x7a: {  	s0 =	rddreg [dreg:$0xe];
	[sflag:s11] =	ssyncadd.s32 $0xFFFFB000  }
0x7b: {  	[hbm4b:s0+s2] =	stream.linear.scatter [tilespmem:s8], [sflag:$0x5], $0x5000, $0x38;
	[tilespmem:$0x14A00] =	vst v63  }
0x7c: {  	_ =	swait.ge [sflag:s4], $0x5000  }
0x7d: {  	[sflag:s4] =	ssyncset.done $0x0  }
0x7e: {  	[sflag:s4] =	ssyncadd.s32 $0xFFFFB000  }
0x7f: {  	[tilespmem:s8], [sflag:$0x3] =	stream.indirect.gather [hbm4b:s3+s14], $0x80, s17, s14, $0xb8;
	[tilespmem:$0x14A00] =	vst v63  }
0x80: {  	_ =	swait.ge [sflag:s9], $0x5000  }
0x81: {  	[sflag:s9] =	ssyncset.done $0x0  }
0x82: {  	s0 =	rddreg [dreg:$0xf];
	[sflag:s9] =	ssyncadd.s32 $0xFFFFB000  }
0x83: {  	[hbm4b:s0+s2] =	stream.linear.scatter [tilespmem:s7], [sflag:$0x5], $0x5000, $0x38;
	[tilespmem:$0x14A00] =	vst v63  }
0x84: {  	_ =	swait.ge [sflag:s4], $0x5000  }
0x85: {  	[sflag:s4] =	ssyncset.done $0x0  }
0x86: {  	[sflag:s4] =	ssyncadd.s32 $0xFFFFB000  }
0x87: {  	[tilespmem:s7], [sflag:$0x4] =	stream.indirect.gather [hbm4b:s3+s14], $0x80, s16, s14, $0xb8;
	[tilespmem:$0x14A00] =	vst v63  }
0x88: {  	_ =	swait.ge [sflag:s15], $0x5000  }
0x89: {  	[sflag:s15] =	ssyncset.done $0x0  }
0x8a: {  	s0 =	rddreg [dreg:$0x10];
	[sflag:s15] =	ssyncadd.s32 $0xFFFFB000  }
0x8b: {  	[hbm4b:s0+s2] =	stream.linear.scatter [tilespmem:s12], [sflag:$0x5], $0x5000, $0x38;
	[tilespmem:$0x14A00] =	vst v63  }
0x8c: {  	_ =	swait.ge [sflag:s4], $0x5000  }
0x8d: {  	[sflag:s4] =	ssyncset.done $0x0  }
0x8e: {  	[sflag:s4] =	ssyncadd.s32 $0xFFFFB000  }
0x8f: {  	_ =	swait.ge [sflag:s13], $0x5000  }
0x90: {  	[sflag:s13] =	ssyncset.done $0x0  }
0x91: {  	s0 =	rddreg [dreg:$0x11];
	[sflag:s13] =	ssyncadd.s32 $0xFFFFB000  }
0x92: {  	[hbm4b:s0+s2] =	stream.linear.scatter [tilespmem:s10], [sflag:$0x5], $0x5000, $0x38;
	[tilespmem:$0x14A00] =	vst v63  }
0x93: {  	_ =	swait.ge [sflag:s4], $0x5000  }
0x94: {  	[sflag:s4] =	ssyncset.done $0x0  }
0x95: {  	[sflag:s4] =	ssyncadd.s32 $0xFFFFB000  }
0x96: {  	_ =	swait.ge [sflag:s11], $0x5000  }
0x97: {  	[sflag:s11] =	ssyncset.done $0x0  }
0x98: {  	[sflag:s11] =	ssyncadd.s32 $0xFFFFB000  }
0x99: {  	[hbm4b:s6+s2] =	stream.linear.scatter [tilespmem:s8], [sflag:$0x5], $0x5000, $0x38;
	[tilespmem:$0x14A00] =	vst v63  }
0x9a: {  	_ =	swait.ge [sflag:s4], $0x5000  }
0x9b: {  	[sflag:s4] =	ssyncset.done $0x0  }
0x9c: {  	[sflag:s4] =	ssyncadd.s32 $0xFFFFB000  }
0x9d: {  	p1 =	sne.s32 s1, $0x1;
	_ =	swait.ge [sflag:s9], $0x5000  }
.Ltmp1:
0x9e: {  	[sflag:s9] =	ssyncset.done $0x0;
	(pc) =	sbr.rel @!p1 .LBB2_3-.Ltmp1, $4  }
0x9f: {  	[sflag:s9] =	ssyncadd.s32 $0xFFFFB000  }
0xa0: {  	[hbm4b:s5+s2] =	stream.linear.scatter [tilespmem:s7], [sflag:$0x5], $0x5000, $0x38;
	[tilespmem:$0x14A00] =	vst v63  }
0xa1: {  	s1 =	sadd.s32 $0xFFFFFFFF, s1;
	_ =	swait.ge [sflag:s4], $0x5000  }
0xa2: {  	p0 =	por $0x1, $0x1;
	s0 =	rddreg [dreg:$0x4];
	[sflag:s4] =	ssyncset.done $0x0  }
.LBB2_2:
0xa3: {  	[sflag:s4] =	ssyncadd.s32 $0xFFFFB000  }
0xa4: {  	[tilespmem:s2], [sflag:$0x5] =	stream.linear.gather [hbm4b:s0+s2], $0xA00, $0x38;
	[tilespmem:$0x14A00] =	vst v63  }
0xa5: {  	_ =	swait.ge [sflag:s4], $0xA00  }
0xa6: {  	[sflag:s4] =	ssyncset.done $0x0  }
0xa7: {  	[sflag:s4] =	ssyncadd.s32 $0xFFFFF600  }
0xa8: {  	[tilespmem:s12], [sflag:$0x1] =	stream.indirect.gather [hbm4b:s3+s14], $0x80, s2, s14, $0xb8;
	[tilespmem:$0x14A00] =	vst v63  }
0xa9: {  	_ = 	snop  }
0xaa: {  	[tilespmem:s10], [sflag:$0x2] =	stream.indirect.gather [hbm4b:s3+s14], $0x80, s14, s14, $0xb8;
	[tilespmem:$0x14A00] =	vst v63  }
0xab: {  	_ = 	snop  }
0xac: {  	[tilespmem:s8], [sflag:$0x3] =	stream.indirect.gather [hbm4b:s3+s14], $0x80, s30, s14, $0xb8;
	[tilespmem:$0x14A00] =	vst v63  }
0xad: {  	_ = 	snop  }
0xae: {  	[tilespmem:s7], [sflag:$0x4] =	stream.indirect.gather [hbm4b:s3+s14], $0x80, s31, s14, $0xb8;
	[tilespmem:$0x14A00] =	vst v63  }
0xaf: {  	_ =	swait.ge [sflag:s15], $0x5000  }
0xb0: {  	[sflag:s15] =	ssyncset.done $0x0  }
0xb1: {  	[sflag:s15] =	ssyncadd.s32 $0xFFFFB000  }
0xb2: {  	[hbm4b:s21+s2] =	stream.linear.scatter [tilespmem:s12], [sflag:$0x5], $0x5000, $0x38;
	[tilespmem:$0x14A00] =	vst v63  }
0xb3: {  	_ =	swait.ge [sflag:s4], $0x5000  }
0xb4: {  	[sflag:s4] =	ssyncset.done $0x0  }
0xb5: {  	[sflag:s4] =	ssyncadd.s32 $0xFFFFB000  }
0xb6: {  	[tilespmem:s12], [sflag:$0x1] =	stream.indirect.gather [hbm4b:s3+s14], $0x80, s29, s14, $0xb8;
	[tilespmem:$0x14A00] =	vst v63  }
0xb7: {  	_ =	swait.ge [sflag:s13], $0x5000  }
0xb8: {  	[sflag:s13] =	ssyncset.done $0x0  }
0xb9: {  	s0 =	rddreg [dreg:$0x5];
	[sflag:s13] =	ssyncadd.s32 $0xFFFFB000  }
0xba: {  	[hbm4b:s0+s2] =	stream.linear.scatter [tilespmem:s10], [sflag:$0x5], $0x5000, $0x38;
	[tilespmem:$0x14A00] =	vst v63  }
0xbb: {  	_ =	swait.ge [sflag:s4], $0x5000  }
0xbc: {  	[sflag:s4] =	ssyncset.done $0x0  }
0xbd: {  	[sflag:s4] =	ssyncadd.s32 $0xFFFFB000  }
0xbe: {  	[tilespmem:s10], [sflag:$0x2] =	stream.indirect.gather [hbm4b:s3+s14], $0x80, s28, s14, $0xb8;
	[tilespmem:$0x14A00] =	vst v63  }
0xbf: {  	_ =	swait.ge [sflag:s11], $0x5000  }
0xc0: {  	[sflag:s11] =	ssyncset.done $0x0  }
0xc1: {  	s0 =	rddreg [dreg:$0x6];
	[sflag:s11] =	ssyncadd.s32 $0xFFFFB000  }
0xc2: {  	[hbm4b:s0+s2] =	stream.linear.scatter [tilespmem:s8], [sflag:$0x5], $0x5000, $0x38;
	[tilespmem:$0x14A00] =	vst v63  }
0xc3: {  	_ =	swait.ge [sflag:s4], $0x5000  }
0xc4: {  	[sflag:s4] =	ssyncset.done $0x0  }
0xc5: {  	[sflag:s4] =	ssyncadd.s32 $0xFFFFB000  }
0xc6: {  	[tilespmem:s8], [sflag:$0x3] =	stream.indirect.gather [hbm4b:s3+s14], $0x80, s26, s14, $0xb8;
	[tilespmem:$0x14A00] =	vst v63  }
0xc7: {  	_ =	swait.ge [sflag:s9], $0x5000  }
0xc8: {  	[sflag:s9] =	ssyncset.done $0x0  }
0xc9: {  	s0 =	rddreg [dreg:$0x7];
	[sflag:s9] =	ssyncadd.s32 $0xFFFFB000  }
0xca: {  	[hbm4b:s0+s2] =	stream.linear.scatter [tilespmem:s7], [sflag:$0x5], $0x5000, $0x38;
	[tilespmem:$0x14A00] =	vst v63  }
0xcb: {  	_ =	swait.ge [sflag:s4], $0x5000  }
0xcc: {  	[sflag:s4] =	ssyncset.done $0x0  }
0xcd: {  	[sflag:s4] =	ssyncadd.s32 $0xFFFFB000  }
0xce: {  	[tilespmem:s7], [sflag:$0x4] =	stream.indirect.gather [hbm4b:s3+s14], $0x80, s25, s14, $0xb8;
	[tilespmem:$0x14A00] =	vst v63  }
0xcf: {  	_ =	swait.ge [sflag:s15], $0x5000  }
0xd0: {  	[sflag:s15] =	ssyncset.done $0x0  }
0xd1: {  	s0 =	rddreg [dreg:$0x8];
	[sflag:s15] =	ssyncadd.s32 $0xFFFFB000  }
0xd2: {  	[hbm4b:s0+s2] =	stream.linear.scatter [tilespmem:s12], [sflag:$0x5], $0x5000, $0x38;
	[tilespmem:$0x14A00] =	vst v63  }
0xd3: {  	_ =	swait.ge [sflag:s4], $0x5000  }
0xd4: {  	[sflag:s4] =	ssyncset.done $0x0  }
0xd5: {  	[sflag:s4] =	ssyncadd.s32 $0xFFFFB000  }
0xd6: {  	[tilespmem:s12], [sflag:$0x1] =	stream.indirect.gather [hbm4b:s3+s14], $0x80, s24, s14, $0xb8;
	[tilespmem:$0x14A00] =	vst v63  }
0xd7: {  	_ =	swait.ge [sflag:s13], $0x5000  }
0xd8: {  	[sflag:s13] =	ssyncset.done $0x0  }
0xd9: {  	s0 =	rddreg [dreg:$0x9];
	[sflag:s13] =	ssyncadd.s32 $0xFFFFB000  }
0xda: {  	[hbm4b:s0+s2] =	stream.linear.scatter [tilespmem:s10], [sflag:$0x5], $0x5000, $0x38;
	[tilespmem:$0x14A00] =	vst v63  }
0xdb: {  	_ =	swait.ge [sflag:s4], $0x5000  }
0xdc: {  	[sflag:s4] =	ssyncset.done $0x0  }
0xdd: {  	[sflag:s4] =	ssyncadd.s32 $0xFFFFB000  }
0xde: {  	[tilespmem:s10], [sflag:$0x2] =	stream.indirect.gather [hbm4b:s3+s14], $0x80, s23, s14, $0xb8;
	[tilespmem:$0x14A00] =	vst v63  }
0xdf: {  	_ =	swait.ge [sflag:s11], $0x5000  }
0xe0: {  	[sflag:s11] =	ssyncset.done $0x0  }
0xe1: {  	s0 =	rddreg [dreg:$0xa];
	[sflag:s11] =	ssyncadd.s32 $0xFFFFB000  }
0xe2: {  	[hbm4b:s0+s2] =	stream.linear.scatter [tilespmem:s8], [sflag:$0x5], $0x5000, $0x38;
	[tilespmem:$0x14A00] =	vst v63  }
0xe3: {  	_ =	swait.ge [sflag:s4], $0x5000  }
0xe4: {  	[sflag:s4] =	ssyncset.done $0x0  }
0xe5: {  	[sflag:s4] =	ssyncadd.s32 $0xFFFFB000  }
0xe6: {  	[tilespmem:s8], [sflag:$0x3] =	stream.indirect.gather [hbm4b:s3+s14], $0x80, s22, s14, $0xb8;
	[tilespmem:$0x14A00] =	vst v63  }
0xe7: {  	_ =	swait.ge [sflag:s9], $0x5000  }
0xe8: {  	[sflag:s9] =	ssyncset.done $0x0  }
0xe9: {  	s0 =	rddreg [dreg:$0xb];
	[sflag:s9] =	ssyncadd.s32 $0xFFFFB000  }
0xea: {  	[hbm4b:s0+s2] =	stream.linear.scatter [tilespmem:s7], [sflag:$0x5], $0x5000, $0x38;
	[tilespmem:$0x14A00] =	vst v63  }
0xeb: {  	_ =	swait.ge [sflag:s4], $0x5000  }
0xec: {  	[sflag:s4] =	ssyncset.done $0x0  }
0xed: {  	[sflag:s4] =	ssyncadd.s32 $0xFFFFB000  }
0xee: {  	[tilespmem:s7], [sflag:$0x4] =	stream.indirect.gather [hbm4b:s3+s14], $0x80, s20, s14, $0xb8;
	[tilespmem:$0x14A00] =	vst v63  }
0xef: {  	_ =	swait.ge [sflag:s15], $0x5000  }
0xf0: {  	[sflag:s15] =	ssyncset.done $0x0  }
0xf1: {  	s0 =	rddreg [dreg:$0xc];
	[sflag:s15] =	ssyncadd.s32 $0xFFFFB000  }
0xf2: {  	[hbm4b:s0+s2] =	stream.linear.scatter [tilespmem:s12], [sflag:$0x5], $0x5000, $0x38;
	[tilespmem:$0x14A00] =	vst v63  }
0xf3: {  	_ =	swait.ge [sflag:s4], $0x5000  }
0xf4: {  	[sflag:s4] =	ssyncset.done $0x0  }
0xf5: {  	[sflag:s4] =	ssyncadd.s32 $0xFFFFB000  }
0xf6: {  	[tilespmem:s12], [sflag:$0x1] =	stream.indirect.gather [hbm4b:s3+s14], $0x80, s19, s14, $0xb8;
	[tilespmem:$0x14A00] =	vst v63  }
0xf7: {  	_ =	swait.ge [sflag:s13], $0x5000  }
0xf8: {  	[sflag:s13] =	ssyncset.done $0x0  }
0xf9: {  	s0 =	rddreg [dreg:$0xd];
	[sflag:s13] =	ssyncadd.s32 $0xFFFFB000  }
0xfa: {  	[hbm4b:s0+s2] =	stream.linear.scatter [tilespmem:s10], [sflag:$0x5], $0x5000, $0x38;
	[tilespmem:$0x14A00] =	vst v63  }
0xfb: {  	_ =	swait.ge [sflag:s4], $0x5000  }
0xfc: {  	[sflag:s4] =	ssyncset.done $0x0  }
0xfd: {  	[sflag:s4] =	ssyncadd.s32 $0xFFFFB000  }
0xfe: {  	[tilespmem:s10], [sflag:$0x2] =	stream.indirect.gather [hbm4b:s3+s14], $0x80, s18, s14, $0xb8;
	[tilespmem:$0x14A00] =	vst v63  }
0xff: {  	_ =	swait.ge [sflag:s11], $0x5000  }
0x100: {  	[sflag:s11] =	ssyncset.done $0x0  }
0x101: {  	s0 =	rddreg [dreg:$0xe];
	[sflag:s11] =	ssyncadd.s32 $0xFFFFB000  }
0x102: {  	[hbm4b:s0+s2] =	stream.linear.scatter [tilespmem:s8], [sflag:$0x5], $0x5000, $0x38;
	[tilespmem:$0x14A00] =	vst v63  }
0x103: {  	_ =	swait.ge [sflag:s4], $0x5000  }
0x104: {  	[sflag:s4] =	ssyncset.done $0x0  }
0x105: {  	[sflag:s4] =	ssyncadd.s32 $0xFFFFB000  }
0x106: {  	[tilespmem:s8], [sflag:$0x3] =	stream.indirect.gather [hbm4b:s3+s14], $0x80, s17, s14, $0xb8;
	[tilespmem:$0x14A00] =	vst v63  }
0x107: {  	_ =	swait.ge [sflag:s9], $0x5000  }
0x108: {  	[sflag:s9] =	ssyncset.done $0x0  }
0x109: {  	s0 =	rddreg [dreg:$0xf];
	[sflag:s9] =	ssyncadd.s32 $0xFFFFB000  }
0x10a: {  	[hbm4b:s0+s2] =	stream.linear.scatter [tilespmem:s7], [sflag:$0x5], $0x5000, $0x38;
	[tilespmem:$0x14A00] =	vst v63  }
0x10b: {  	_ =	swait.ge [sflag:s4], $0x5000  }
0x10c: {  	[sflag:s4] =	ssyncset.done $0x0  }
0x10d: {  	[sflag:s4] =	ssyncadd.s32 $0xFFFFB000  }
0x10e: {  	[tilespmem:s7], [sflag:$0x4] =	stream.indirect.gather [hbm4b:s3+s14], $0x80, s16, s14, $0xb8;
	[tilespmem:$0x14A00] =	vst v63  }
0x10f: {  	_ =	swait.ge [sflag:s15], $0x5000  }
0x110: {  	[sflag:s15] =	ssyncset.done $0x0  }
0x111: {  	s0 =	rddreg [dreg:$0x10];
	[sflag:s15] =	ssyncadd.s32 $0xFFFFB000  }
0x112: {  	[hbm4b:s0+s2] =	stream.linear.scatter [tilespmem:s12], [sflag:$0x5], $0x5000, $0x38;
	[tilespmem:$0x14A00] =	vst v63  }
0x113: {  	_ =	swait.ge [sflag:s4], $0x5000  }
0x114: {  	[sflag:s4] =	ssyncset.done $0x0  }
0x115: {  	[sflag:s4] =	ssyncadd.s32 $0xFFFFB000  }
0x116: {  	_ =	swait.ge [sflag:s13], $0x5000  }
0x117: {  	[sflag:s13] =	ssyncset.done $0x0  }
0x118: {  	s0 =	rddreg [dreg:$0x11];
	[sflag:s13] =	ssyncadd.s32 $0xFFFFB000  }
0x119: {  	[hbm4b:s0+s2] =	stream.linear.scatter [tilespmem:s10], [sflag:$0x5], $0x5000, $0x38;
	[tilespmem:$0x14A00] =	vst v63  }
0x11a: {  	_ =	swait.ge [sflag:s4], $0x5000  }
0x11b: {  	[sflag:s4] =	ssyncset.done $0x0  }
0x11c: {  	[sflag:s4] =	ssyncadd.s32 $0xFFFFB000  }
0x11d: {  	_ =	swait.ge [sflag:s11], $0x5000  }
0x11e: {  	[sflag:s11] =	ssyncset.done $0x0  }
0x11f: {  	[sflag:s11] =	ssyncadd.s32 $0xFFFFB000  }
0x120: {  	[hbm4b:s6+s2] =	stream.linear.scatter [tilespmem:s8], [sflag:$0x5], $0x5000, $0x38;
	[tilespmem:$0x14A00] =	vst v63  }
0x121: {  	_ =	swait.ge [sflag:s4], $0x5000  }
0x122: {  	[sflag:s4] =	ssyncset.done $0x0  }
0x123: {  	[sflag:s4] =	ssyncadd.s32 $0xFFFFB000  }
0x124: {  	p1 =	sne.s32 s1, $0x1;
	_ =	swait.ge [sflag:s9], $0x5000  }
.Ltmp2:
0x125: {  	[sflag:s9] =	ssyncset.done $0x0;
	(pc) =	sbr.rel @p1 .LBB2_2-.Ltmp2, $4  }
0x126: {  	[sflag:s9] =	ssyncadd.s32 $0xFFFFB000  }
0x127: {  	[hbm4b:s5+s2] =	stream.linear.scatter [tilespmem:s7], [sflag:$0x5], $0x5000, $0x38;
	[tilespmem:$0x14A00] =	vst v63  }
0x128: {  	_ =	swait.ge [sflag:s4], $0x5000  }
0x129: {  	s1 =	sadd.s32 $0xFFFFFFFF, s1;
	s0 =	rddreg [dreg:$0x4];
	[sflag:s4] =	ssyncset.done $0x0  }
.LBB2_3:
0x12a: {  	[sflag:s4] =	ssyncadd.s32 @p0 $0xFFFFB000  }
0x12b: {  	[tilespmem:s2], [sflag:$0x5] =	stream.linear.gather [hbm4b:s0+s2], $0xA00, $0x38;
	[tilespmem:$0x14A00] =	vst v63  }
0x12c: {  	_ =	swait.ge [sflag:s4], $0xA00  }
0x12d: {  	[sflag:s4] =	ssyncset.done $0x0  }
0x12e: {  	[sflag:s4] =	ssyncadd.s32 $0xFFFFF600  }
0x12f: {  	[tilespmem:s12], [sflag:$0x1] =	stream.indirect.gather [hbm4b:s3+s14], $0x80, s2, s14, $0xb8;
	[tilespmem:$0x14A00] =	vst v63  }
0x130: {  	_ = 	snop  }
0x131: {  	[tilespmem:s10], [sflag:$0x2] =	stream.indirect.gather [hbm4b:s3+s14], $0x80, s14, s14, $0xb8;
	[tilespmem:$0x14A00] =	vst v63  }
0x132: {  	_ = 	snop  }
0x133: {  	[tilespmem:s8], [sflag:$0x3] =	stream.indirect.gather [hbm4b:s3+s14], $0x80, s30, s14, $0xb8;
	[tilespmem:$0x14A00] =	vst v63  }
0x134: {  	_ = 	snop  }
0x135: {  	[tilespmem:s7], [sflag:$0x4] =	stream.indirect.gather [hbm4b:s3+s14], $0x80, s31, s14, $0xb8;
	[tilespmem:$0x14A00] =	vst v63  }
0x136: {  	_ =	swait.ge [sflag:s15], $0x5000  }
0x137: {  	[sflag:s15] =	ssyncset.done $0x0  }
0x138: {  	[sflag:s15] =	ssyncadd.s32 $0xFFFFB000  }
0x139: {  	[hbm4b:s21+s2] =	stream.linear.scatter [tilespmem:s12], [sflag:$0x5], $0x5000, $0x38;
	[tilespmem:$0x14A00] =	vst v63  }
0x13a: {  	_ =	swait.ge [sflag:s4], $0x5000  }
0x13b: {  	[sflag:s4] =	ssyncset.done $0x0  }
0x13c: {  	[sflag:s4] =	ssyncadd.s32 $0xFFFFB000  }
0x13d: {  	[tilespmem:s12], [sflag:$0x1] =	stream.indirect.gather [hbm4b:s3+s14], $0x80, s29, s14, $0xb8;
	[tilespmem:$0x14A00] =	vst v63  }
0x13e: {  	_ =	swait.ge [sflag:s13], $0x5000  }
0x13f: {  	[sflag:s13] =	ssyncset.done $0x0  }
0x140: {  	s21 =	rddreg [dreg:$0x5];
	[sflag:s13] =	ssyncadd.s32 $0xFFFFB000  }
0x141: {  	[hbm4b:s21+s2] =	stream.linear.scatter [tilespmem:s10], [sflag:$0x5], $0x5000, $0x38;
	[tilespmem:$0x14A00] =	vst v63  }
0x142: {  	_ =	swait.ge [sflag:s4], $0x5000  }
0x143: {  	[sflag:s4] =	ssyncset.done $0x0  }
0x144: {  	[sflag:s4] =	ssyncadd.s32 $0xFFFFB000  }
0x145: {  	[tilespmem:s10], [sflag:$0x2] =	stream.indirect.gather [hbm4b:s3+s14], $0x80, s28, s14, $0xb8;
	[tilespmem:$0x14A00] =	vst v63  }
0x146: {  	_ =	swait.ge [sflag:s11], $0x5000  }
0x147: {  	[sflag:s11] =	ssyncset.done $0x0  }
0x148: {  	s29 =	rddreg [dreg:$0x6];
	[sflag:s11] =	ssyncadd.s32 $0xFFFFB000  }
0x149: {  	[hbm4b:s29+s2] =	stream.linear.scatter [tilespmem:s8], [sflag:$0x5], $0x5000, $0x38;
	[tilespmem:$0x14A00] =	vst v63  }
0x14a: {  	_ =	swait.ge [sflag:s4], $0x5000  }
0x14b: {  	[sflag:s4] =	ssyncset.done $0x0  }
0x14c: {  	[sflag:s4] =	ssyncadd.s32 $0xFFFFB000  }
0x14d: {  	[tilespmem:s8], [sflag:$0x3] =	stream.indirect.gather [hbm4b:s3+s14], $0x80, s26, s14, $0xb8;
	[tilespmem:$0x14A00] =	vst v63  }
0x14e: {  	_ =	swait.ge [sflag:s9], $0x5000  }
0x14f: {  	[sflag:s9] =	ssyncset.done $0x0  }
0x150: {  	s30 =	rddreg [dreg:$0x7];
	[sflag:s9] =	ssyncadd.s32 $0xFFFFB000  }
0x151: {  	[hbm4b:s30+s2] =	stream.linear.scatter [tilespmem:s7], [sflag:$0x5], $0x5000, $0x38;
	[tilespmem:$0x14A00] =	vst v63  }
0x152: {  	_ =	swait.ge [sflag:s4], $0x5000  }
0x153: {  	[sflag:s4] =	ssyncset.done $0x0  }
0x154: {  	[sflag:s4] =	ssyncadd.s32 $0xFFFFB000  }
0x155: {  	[tilespmem:s7], [sflag:$0x4] =	stream.indirect.gather [hbm4b:s3+s14], $0x80, s25, s14, $0xb8;
	[tilespmem:$0x14A00] =	vst v63  }
0x156: {  	_ =	swait.ge [sflag:s15], $0x5000  }
0x157: {  	[sflag:s15] =	ssyncset.done $0x0  }
0x158: {  	s31 =	rddreg [dreg:$0x8];
	[sflag:s15] =	ssyncadd.s32 $0xFFFFB000  }
0x159: {  	[hbm4b:s31+s2] =	stream.linear.scatter [tilespmem:s12], [sflag:$0x5], $0x5000, $0x38;
	[tilespmem:$0x14A00] =	vst v63  }
0x15a: {  	_ =	swait.ge [sflag:s4], $0x5000  }
0x15b: {  	[sflag:s4] =	ssyncset.done $0x0  }
0x15c: {  	[sflag:s4] =	ssyncadd.s32 $0xFFFFB000  }
0x15d: {  	[tilespmem:s12], [sflag:$0x1] =	stream.indirect.gather [hbm4b:s3+s14], $0x80, s24, s14, $0xb8;
	[tilespmem:$0x14A00] =	vst v63  }
0x15e: {  	_ =	swait.ge [sflag:s13], $0x5000  }
0x15f: {  	[sflag:s13] =	ssyncset.done $0x0  }
0x160: {  	s1 =	rddreg [dreg:$0x9];
	[sflag:s13] =	ssyncadd.s32 $0xFFFFB000  }
0x161: {  	[hbm4b:s1+s2] =	stream.linear.scatter [tilespmem:s10], [sflag:$0x5], $0x5000, $0x38;
	[tilespmem:$0x14A00] =	vst v63  }
0x162: {  	_ =	swait.ge [sflag:s4], $0x5000  }
0x163: {  	[sflag:s4] =	ssyncset.done $0x0  }
0x164: {  	[sflag:s4] =	ssyncadd.s32 $0xFFFFB000  }
0x165: {  	[tilespmem:s10], [sflag:$0x2] =	stream.indirect.gather [hbm4b:s3+s14], $0x80, s23, s14, $0xb8;
	[tilespmem:$0x14A00] =	vst v63  }
0x166: {  	_ =	swait.ge [sflag:s11], $0x5000  }
0x167: {  	[sflag:s11] =	ssyncset.done $0x0  }
0x168: {  	s21 =	rddreg [dreg:$0xa];
	[sflag:s11] =	ssyncadd.s32 $0xFFFFB000  }
0x169: {  	[hbm4b:s21+s2] =	stream.linear.scatter [tilespmem:s8], [sflag:$0x5], $0x5000, $0x38;
	[tilespmem:$0x14A00] =	vst v63  }
0x16a: {  	_ =	swait.ge [sflag:s4], $0x5000  }
0x16b: {  	[sflag:s4] =	ssyncset.done $0x0  }
0x16c: {  	[sflag:s4] =	ssyncadd.s32 $0xFFFFB000  }
0x16d: {  	[tilespmem:s8], [sflag:$0x3] =	stream.indirect.gather [hbm4b:s3+s14], $0x80, s22, s14, $0xb8;
	[tilespmem:$0x14A00] =	vst v63  }
0x16e: {  	_ =	swait.ge [sflag:s9], $0x5000  }
0x16f: {  	[sflag:s9] =	ssyncset.done $0x0  }
0x170: {  	s23 =	rddreg [dreg:$0xb];
	[sflag:s9] =	ssyncadd.s32 $0xFFFFB000  }
0x171: {  	[hbm4b:s23+s2] =	stream.linear.scatter [tilespmem:s7], [sflag:$0x5], $0x5000, $0x38;
	[tilespmem:$0x14A00] =	vst v63  }
0x172: {  	_ =	swait.ge [sflag:s4], $0x5000  }
0x173: {  	[sflag:s4] =	ssyncset.done $0x0  }
0x174: {  	[sflag:s4] =	ssyncadd.s32 $0xFFFFB000  }
0x175: {  	[tilespmem:s7], [sflag:$0x4] =	stream.indirect.gather [hbm4b:s3+s14], $0x80, s20, s14, $0xb8;
	[tilespmem:$0x14A00] =	vst v63  }
0x176: {  	_ =	swait.ge [sflag:s15], $0x5000  }
0x177: {  	[sflag:s15] =	ssyncset.done $0x0  }
0x178: {  	s24 =	rddreg [dreg:$0xc];
	[sflag:s15] =	ssyncadd.s32 $0xFFFFB000  }
0x179: {  	[hbm4b:s24+s2] =	stream.linear.scatter [tilespmem:s12], [sflag:$0x5], $0x5000, $0x38;
	[tilespmem:$0x14A00] =	vst v63  }
0x17a: {  	_ =	swait.ge [sflag:s4], $0x5000  }
0x17b: {  	[sflag:s4] =	ssyncset.done $0x0  }
0x17c: {  	[sflag:s4] =	ssyncadd.s32 $0xFFFFB000  }
0x17d: {  	[tilespmem:s12], [sflag:$0x1] =	stream.indirect.gather [hbm4b:s3+s14], $0x80, s19, s14, $0xb8;
	[tilespmem:$0x14A00] =	vst v63  }
0x17e: {  	_ =	swait.ge [sflag:s13], $0x5000  }
0x17f: {  	[sflag:s13] =	ssyncset.done $0x0  }
0x180: {  	s25 =	rddreg [dreg:$0xd];
	[sflag:s13] =	ssyncadd.s32 $0xFFFFB000  }
0x181: {  	[hbm4b:s25+s2] =	stream.linear.scatter [tilespmem:s10], [sflag:$0x5], $0x5000, $0x38;
	[tilespmem:$0x14A00] =	vst v63  }
0x182: {  	_ =	swait.ge [sflag:s4], $0x5000  }
0x183: {  	[sflag:s4] =	ssyncset.done $0x0  }
0x184: {  	[sflag:s4] =	ssyncadd.s32 $0xFFFFB000  }
0x185: {  	[tilespmem:s10], [sflag:$0x2] =	stream.indirect.gather [hbm4b:s3+s14], $0x80, s18, s14, $0xb8;
	[tilespmem:$0x14A00] =	vst v63  }
0x186: {  	_ =	swait.ge [sflag:s11], $0x5000  }
0x187: {  	[sflag:s11] =	ssyncset.done $0x0  }
0x188: {  	s26 =	rddreg [dreg:$0xe];
	[sflag:s11] =	ssyncadd.s32 $0xFFFFB000  }
0x189: {  	[hbm4b:s26+s2] =	stream.linear.scatter [tilespmem:s8], [sflag:$0x5], $0x5000, $0x38;
	[tilespmem:$0x14A00] =	vst v63  }
0x18a: {  	_ =	swait.ge [sflag:s4], $0x5000  }
0x18b: {  	[sflag:s4] =	ssyncset.done $0x0  }
0x18c: {  	[sflag:s4] =	ssyncadd.s32 $0xFFFFB000  }
0x18d: {  	[tilespmem:s8], [sflag:$0x3] =	stream.indirect.gather [hbm4b:s3+s14], $0x80, s17, s14, $0xb8;
	[tilespmem:$0x14A00] =	vst v63  }
0x18e: {  	_ =	swait.ge [sflag:s9], $0x5000  }
0x18f: {  	[sflag:s9] =	ssyncset.done $0x0  }
0x190: {  	s28 =	rddreg [dreg:$0xf];
	[sflag:s9] =	ssyncadd.s32 $0xFFFFB000  }
0x191: {  	[hbm4b:s28+s2] =	stream.linear.scatter [tilespmem:s7], [sflag:$0x5], $0x5000, $0x38;
	[tilespmem:$0x14A00] =	vst v63  }
0x192: {  	_ =	swait.ge [sflag:s4], $0x5000  }
0x193: {  	[sflag:s4] =	ssyncset.done $0x0  }
0x194: {  	[sflag:s4] =	ssyncadd.s32 $0xFFFFB000  }
0x195: {  	[tilespmem:s7], [sflag:$0x4] =	stream.indirect.gather [hbm4b:s3+s14], $0x80, s16, s14, $0xb8;
	[tilespmem:$0x14A00] =	vst v63  }
0x196: {  	_ =	swait.ge [sflag:s15], $0x5000  }
0x197: {  	[sflag:s15] =	ssyncset.done $0x0  }
0x198: {  	s29 =	rddreg [dreg:$0x10];
	[sflag:s15] =	ssyncadd.s32 $0xFFFFB000  }
0x199: {  	[hbm4b:s29+s2] =	stream.linear.scatter [tilespmem:s12], [sflag:$0x5], $0x5000, $0x38;
	[tilespmem:$0x14A00] =	vst v63  }
0x19a: {  	_ =	swait.ge [sflag:s4], $0x5000  }
0x19b: {  	[sflag:s4] =	ssyncset.done $0x0  }
0x19c: {  	[sflag:s4] =	ssyncadd.s32 $0xFFFFB000  }
0x19d: {  	_ =	swait.ge [sflag:s13], $0x5000  }
0x19e: {  	[sflag:s13] =	ssyncset.done $0x0  }
0x19f: {  	s30 =	rddreg [dreg:$0x11];
	[sflag:s13] =	ssyncadd.s32 $0xFFFFB000  }
0x1a0: {  	[hbm4b:s30+s2] =	stream.linear.scatter [tilespmem:s10], [sflag:$0x5], $0x5000, $0x38;
	[tilespmem:$0x14A00] =	vst v63  }
0x1a1: {  	_ =	swait.ge [sflag:s4], $0x5000  }
0x1a2: {  	[sflag:s4] =	ssyncset.done $0x0  }
0x1a3: {  	[sflag:s4] =	ssyncadd.s32 $0xFFFFB000  }
0x1a4: {  	_ =	swait.ge [sflag:s11], $0x5000  }
0x1a5: {  	[sflag:s11] =	ssyncset.done $0x0  }
0x1a6: {  	[sflag:s11] =	ssyncadd.s32 $0xFFFFB000  }
0x1a7: {  	[hbm4b:s6+s2] =	stream.linear.scatter [tilespmem:s8], [sflag:$0x5], $0x5000, $0x38;
	[tilespmem:$0x14A00] =	vst v63  }
0x1a8: {  	_ =	swait.ge [sflag:s4], $0x5000  }
0x1a9: {  	[sflag:s4] =	ssyncset.done $0x0  }
0x1aa: {  	[sflag:s4] =	ssyncadd.s32 $0xFFFFB000  }
0x1ab: {  	_ =	swait.ge [sflag:s9], $0x5000  }
0x1ac: {  	[sflag:s9] =	ssyncset.done $0x0  }
0x1ad: {  	[sflag:s9] =	ssyncadd.s32 $0xFFFFB000  }
0x1ae: {  	[hbm4b:s5+s2] =	stream.linear.scatter [tilespmem:s7], [sflag:$0x5], $0x5000, $0x38;
	[tilespmem:$0x14A00] =	vst v63  }
0x1af: {  	_ =	swait.ge [sflag:s4], $0x5000  }
0x1b0: {  	[sflag:s4] =	ssyncset.done $0x0  }
0x1b1: {  	[sflag:s4] =	ssyncadd.s32 $0xFFFFB000  }
0x1b2: {  	_ =	sfence.sel $0x180000  }
0x1b3: {  	[bflag:$0x0] =	sbarrier.arrive $0xFFFF  }
0x1b4: {  	_ =	strace $0x90000047  }
0x1b5: {  	s31 =	stileid.u32;
	[bflag:$0x2] =	sbarrier.arrive $0xFFFF  }
0x1b6: {  	p0 =	sne.s32 s31, $0x0;
	s0 =	rddreg [dreg:$0x3]  }
0x1b7: {  	s0 =	sadd.s32 @!p0 $0x100000, s0  }
0x1b8: {  	[sflag:s0] =	ssyncadd.tile.s32 @!p0 $0x1;
	_ =	shalt  }
.Lfunc_end2:
_tile_overlayer_lowered:
.L_overlay_start_2:
0x1b9: {  	(tag) =	ssettag $0x2  }
0x1ba: {  	s0 =	rddreg [dreg:$0x0];
	s2 =	stileid.u32  }
0x1bb: {  	s1 =	rddreg [dreg:$0x1];
	p0 =	sne.s32 s2, $0x0  }
0x1bc: {  	s3 =	rddreg [dreg:$0x2];
	[bflag:$0x3] =	sbarrier.arrive $0xFFFF;
	s2 =	simm.s32 @!p0 $0x1C05  }
0x1bd: {  	[timem:s3], [sflag:s2] =	dma.local @!p0 [hbm:s0], s1  }
0x1be: {  	s0 =	simm.s32 @!p0 $0x5  }
0x1bf: {  	_ =	swait.ge @!p0 [sflag:s0], s1  }
0x1c0: {  	s1 =	ssub.s32 @!p0 $0x0, s1;
	[sflag:s0] =	ssyncset.done @!p0 $0x0  }
0x1c1: {  	[sflag:s0] =	ssyncadd.s32 @!p0 s1  }
0x1c2: {  	[bflag:$0x3] =	sbarrier.arrive $0xFFFF  }
0x1c3: {  	_ =	shalt  }

</sc_bundles>
